<compile_context>
chip_gen: v7x
topology: tpu7x:2x2x1
jax: 0.10.2.dev20260603
libtpu: 0.0.44.dev20260713+nightly
codegen_flags: <defaults>
</compile_context>

<pallas_src>
import functools
import jax
import jax.numpy as jnp
from jax import lax
from jax.experimental import pallas as pl
from jax.experimental.pallas import tpu as pltpu
from jax.experimental.pallas import tpu_sc as plsc

EPS = 1e-6

N, C, D, H, W = 2, 4, 128, 128, 128
ROWS = N * C
ROW_ELEMS = D * H * W
SLAB = H * W

D_TC = 96
D_SC = D - D_TC

BLK_D = 96
ND = D_TC // BLK_D if D_TC else 0
assert ND * BLK_D == D_TC, "TC block split must cover [0, D_TC) exactly"


def _tc_kernel(inp_ref, tgt_ref, out_pt, out_den):
    n = pl.program_id(0)
    c = pl.program_id(1)
    d = pl.program_id(2)
    row = n * C + c

    @pl.when(jnp.logical_and(row == 0, d == 0))
    def _init():
        out_pt[...] = jnp.zeros_like(out_pt)
        out_den[...] = jnp.zeros_like(out_den)

    x = inp_ref[0, 0]
    t = tgt_ref[0, 0]
    p = jax.nn.sigmoid(x)
    s_pt = jnp.sum(p * t)
    s_den = jnp.sum(p * p + t)

    row_mask = jax.lax.broadcasted_iota(jnp.int32, (ROWS, 128), 0) == row
    out_pt[...] += jnp.where(row_mask, s_pt, 0.0)
    out_den[...] += jnp.where(row_mask, s_den, 0.0)


def _tc_partials(input, target):
    return pl.pallas_call(
        _tc_kernel,
        grid=(N, C, ND),
        in_specs=[
            pl.BlockSpec((1, 1, BLK_D, H, W), lambda n, c, d: (n, c, d, 0, 0)),
            pl.BlockSpec((1, 1, BLK_D, H, W), lambda n, c, d: (n, c, d, 0, 0)),
        ],
        out_specs=[
            pl.BlockSpec((ROWS, 128), lambda n, c, d: (0, 0)),
            pl.BlockSpec((ROWS, 128), lambda n, c, d: (0, 0)),
        ],
        out_shape=[
            jax.ShapeDtypeStruct((ROWS, 128), jnp.float32),
            jax.ShapeDtypeStruct((ROWS, 128), jnp.float32),
        ],
    )(input, target)


CHUNK = 16384
NW = 32
SC_ROW = D_SC * SLAB
PER_W = SC_ROW // 4
NCH = PER_W // CHUNK if D_SC else 0

_sc_mesh = plsc.VectorSubcoreMesh(core_axis_name="c", subcore_axis_name="s")


@functools.partial(
    pl.kernel,
    out_type=jax.ShapeDtypeStruct((NW, 2, 16), jnp.float32),
    mesh=_sc_mesh,
    scratch_types=[
        pltpu.VMEM((CHUNK,), jnp.float32),
        pltpu.VMEM((CHUNK,), jnp.float32),
        pltpu.VMEM((CHUNK,), jnp.float32),
        pltpu.VMEM((CHUNK,), jnp.float32),
        pltpu.VMEM((2, 16), jnp.float32),
        pltpu.SemaphoreType.DMA,
        pltpu.SemaphoreType.DMA,
        pltpu.SemaphoreType.DMA,
        pltpu.SemaphoreType.DMA,
    ],
)
def _sc_partials(inp_hbm, tgt_hbm, out_hbm,
                 xbuf0, xbuf1, tbuf0, tbuf1, res,
                 semx0, semx1, semt0, semt1):
    w = lax.axis_index("s") * 2 + lax.axis_index("c")
    row = w // 4
    q = w % 4
    base = row * ROW_ELEMS + D_TC * SLAB + q * PER_W

    def start(g, xbuf, tbuf, semx, semt):
        off = pl.multiple_of(base + g * CHUNK, CHUNK)
        pltpu.async_copy(inp_hbm.at[pl.ds(off, CHUNK)], xbuf, semx)
        pltpu.async_copy(tgt_hbm.at[pl.ds(off, CHUNK)], tbuf, semt)

    def wait(xbuf, tbuf, semx, semt):
        pltpu.make_async_copy(inp_hbm.at[pl.ds(0, CHUNK)], xbuf, semx).wait()
        pltpu.make_async_copy(tgt_hbm.at[pl.ds(0, CHUNK)], tbuf, semt).wait()

    def compute(xbuf, tbuf, accs):
        def inner(k, accs2):
            o = pl.multiple_of(k * 64, 64)
            out = []
            for j in range(4):
                a_pt, a_den = accs2[2 * j], accs2[2 * j + 1]
                x = xbuf[pl.ds(o + j * 16, 16)]
                t = tbuf[pl.ds(o + j * 16, 16)]
                p = 1.0 / (1.0 + jnp.exp(-x))
                out.append(a_pt + p * t)
                out.append(a_den + (p * p + t))
            return tuple(out)

        return lax.fori_loop(0, CHUNK // 64, inner, accs, unroll=4)

    start(0, xbuf0, tbuf0, semx0, semt0)
    z = jnp.zeros((16,), jnp.float32)
    accs = (z,) * 8

    def two_chunks(gp, accs):
        g0 = gp * 2
        start(g0 + 1, xbuf1, tbuf1, semx1, semt1)
        wait(xbuf0, tbuf0, semx0, semt0)
        accs = compute(xbuf0, tbuf0, accs)

        @pl.when(g0 + 2 < NCH)
        def _():
            start(g0 + 2, xbuf0, tbuf0, semx0, semt0)

        wait(xbuf1, tbuf1, semx1, semt1)
        return compute(xbuf1, tbuf1, accs)

    accs = lax.fori_loop(0, NCH // 2, two_chunks, accs)
    a_pt = (accs[0] + accs[2]) + (accs[4] + accs[6])
    a_den = (accs[1] + accs[3]) + (accs[5] + accs[7])
    res[0, :] = a_pt
    res[1, :] = a_den
    pltpu.sync_copy(res, out_hbm.at[w])


def kernel(input, target):
    s_pt = jnp.zeros((ROWS,), jnp.float32)
    s_den = jnp.zeros((ROWS,), jnp.float32)

    if D_SC:
        part = _sc_partials(input.reshape(-1), target.reshape(-1))
        s_pt = s_pt + part[:, 0, :].reshape(ROWS, 4 * 16).sum(-1)
        s_den = s_den + part[:, 1, :].reshape(ROWS, 4 * 16).sum(-1)

    if D_TC:
        tc_pt, tc_den = _tc_partials(input, target)
        s_pt = s_pt + tc_pt[:, 0]
        s_den = s_den + tc_den[:, 0]

    intersect = s_pt[0:C] + s_pt[C:ROWS]
    denom = s_den[0:C] + s_den[C:ROWS]
    dice = 2.0 * intersect / jnp.maximum(denom, EPS)
    loss = 1.0 - jnp.mean(dice)
    return (loss, dice)

# --- scband reference (transcript-rebuilt; emitter-appended) ---
"""Pipeline reference for scband-abstract-dice-loss-10101763080714 (READ-ONLY COPY).

The authoritative reference and input builder live on the scoring server;
editing this copy changes nothing except your own understanding.
"""

import jax, jax.numpy as jnp
import numpy as np

EPS = 1e-6

def _flatten(t):
    # (N, C, D, H, W) -> (C, N*D*H*W), matching the torch 'flatten' helper used by dice losses
    C = t.shape[1]
    t = jnp.moveaxis(t, 1, 0)
    return t.reshape(C, -1)

def _per_channel_dice(inp, tgt, weight=None):
    inp = _flatten(inp)
    tgt = _flatten(tgt).astype(jnp.float32)
    intersect = jnp.sum(inp * tgt, axis=-1)
    if weight is not None:
        intersect = weight * intersect
    denominator = jnp.sum(inp * inp, axis=-1) + jnp.sum(tgt * tgt, axis=-1)
    return 2.0 * intersect / jnp.maximum(denominator, EPS)

def setup_inputs(seed: int = 0) -> dict:
    key = jax.random.key(seed)
    k1, k2 = jax.random.split(key)
    inp = jax.random.normal(k1, (2, 4, 128, 128, 128), dtype=jnp.float32)
    # target is already 5D one-hot-like (binary per channel); expand_as_one_hot returns 5D input as-is
    tgt = jax.random.randint(k2, (2, 4, 128, 128, 128), 0, 2).astype(jnp.float32)
    return {"input": inp, "target": tgt}

def reference(input, target):
    # target.long(): cast to integer (values already 0/1); since target.dim()==5,
    # expand_as_one_hot is a no-op passthrough
    target_int = target.astype(jnp.int32)
    # sigmoid_normalization=True -> nn.Sigmoid applied inside the (concrete) dice computation
    probs = jax.nn.sigmoid(input)
    per_channel_dice = _per_channel_dice(probs, target_int.astype(jnp.float32), weight=None)
    loss = 1.0 - jnp.mean(per_channel_dice)
    return (loss, per_channel_dice)

if __name__ == "__main__":
    import jax
    _d = setup_inputs()
    print(jax.jit(kernel)(*tuple(_d.values())))

</pallas_src>

<mosaic_0001>
#map = affine_map<(d0, d1) -> (0)>
#map1 = affine_map<(d0, d1) -> (0, 0, 0)>
module attributes {stable_mosaic.version = 14 : i64} {
  func.func @_sc_partials(%arg0: i32, %arg1: i32, %arg2: memref<16777216xf32, #tpu.memory_space<hbm>>, %arg3: memref<16777216xf32, #tpu.memory_space<hbm>>, %arg4: memref<32x2x16xf32, #tpu.memory_space<hbm>>, %arg5: memref<16384xf32, #tpu.memory_space<vmem>>, %arg6: memref<16384xf32, #tpu.memory_space<vmem>>, %arg7: memref<16384xf32, #tpu.memory_space<vmem>>, %arg8: memref<16384xf32, #tpu.memory_space<vmem>>, %arg9: memref<2x16xf32, #tpu.memory_space<vmem>>, %arg10: memref<!tpu.dma_semaphore, #tpu.memory_space<semaphore_mem>>, %arg11: memref<!tpu.dma_semaphore, #tpu.memory_space<semaphore_mem>>, %arg12: memref<!tpu.dma_semaphore, #tpu.memory_space<semaphore_mem>>, %arg13: memref<!tpu.dma_semaphore, #tpu.memory_space<semaphore_mem>>) attributes {dimension_semantics = [#tpu.dimension_semantics<core_parallel>, #tpu.dimension_semantics<subcore_parallel>], iteration_bounds = array<i64: 2, 16>, scalar_prefetch = 0 : i64, scratch_operands = 9 : i64, tpu.core_type = #tpu.core_type<sc_vector_subcore>, window_params = [{transform_indices = #map}, {transform_indices = #map}, {transform_indices = #map1}]} {
    %mul3A = arith.constant 2 : i32
    %mul3A_0 = arith.muli %arg1, %mul3A : i32
    %add3A = arith.addi %mul3A_0, %arg0 : i32
    %jit3A = arith.constant 4 : i32
    %div3A = arith.divsi %add3A, %jit3A : i32
    %sign3A = arith.constant 0 : i32
    %sign3A_1 = arith.cmpi sgt, %add3A, %sign3A : i32
    %sign3A_2 = arith.extui %sign3A_1 : i1 to i32
    %sign3A_3 = arith.constant 0 : i32
    %sign3A_4 = arith.cmpi slt, %add3A, %sign3A_3 : i32
    %sign3A_5 = arith.extui %sign3A_4 : i1 to i32
    %sign3A_6 = arith.subi %sign3A_2, %sign3A_5 : i32
    %sign3A_7 = arith.constant 0 : i32
    %sign3A_8 = arith.cmpi sgt, %jit3A, %sign3A_7 : i32
    %sign3A_9 = arith.extui %sign3A_8 : i1 to i32
    %sign3A_10 = arith.constant 0 : i32
    %sign3A_11 = arith.cmpi slt, %jit3A, %sign3A_10 : i32
    %sign3A_12 = arith.extui %sign3A_11 : i1 to i32
    %sign3A_13 = arith.subi %sign3A_9, %sign3A_12 : i32
    %ne3A = arith.cmpi ne, %sign3A_6, %sign3A_13 : i32
    %rem3A = arith.remsi %add3A, %jit3A : i32
    %ne3A_14 = arith.constant 0 : i32
    %ne3A_15 = arith.cmpi ne, %rem3A, %ne3A_14 : i32
    %and3A = arith.andi %ne3A, %ne3A_15 : i1
    %sub3A = arith.constant 1 : i32
    %sub3A_16 = arith.subi %div3A, %sub3A : i32
    %select_n3A = arith.select %and3A, %sub3A_16, %div3A : i32
    %jit3A_17 = arith.constant 4 : i32
    %eq3A = arith.constant 0 : i32
    %eq3A_18 = arith.cmpi eq, %jit3A_17, %eq3A : i32
    %jit3A_19 = arith.constant 1 : i32
    %select_n3A_20 = arith.select %eq3A_18, %jit3A_19, %jit3A_17 : i32
    %rem3A_21 = arith.remsi %add3A, %select_n3A_20 : i32
    %ne3A_22 = arith.constant 0 : i32
    %ne3A_23 = arith.cmpi ne, %rem3A_21, %ne3A_22 : i32
    %lt3A = arith.constant 0 : i32
    %lt3A_24 = arith.cmpi slt, %rem3A_21, %lt3A : i32
    %lt3A_25 = arith.constant 0 : i32
    %lt3A_26 = arith.cmpi slt, %select_n3A_20, %lt3A_25 : i32
    %ne3A_27 = arith.xori %lt3A_24, %lt3A_26 : i1
    %and3A_28 = arith.andi %ne3A_27, %ne3A_23 : i1
    %add3A_29 = arith.addi %rem3A_21, %select_n3A_20 : i32
    %select_n3A_30 = arith.select %and3A_28, %add3A_29, %rem3A_21 : i32
    %mul3A_31 = arith.constant 2097152 : i32
    %mul3A_32 = arith.muli %select_n3A, %mul3A_31 : i32
    %add3A_33 = arith.constant 1572864 : i32
    %add3A_34 = arith.addi %mul3A_32, %add3A_33 : i32
    %mul3A_35 = arith.constant 131072 : i32
    %mul3A_36 = arith.muli %select_n3A_30, %mul3A_35 : i32
    %add3A_37 = arith.addi %add3A_34, %mul3A_36 : i32
    %add3A_38 = arith.constant 0 : i32
    %add3A_39 = arith.addi %add3A_37, %add3A_38 : i32
    %multiple_of3A = tpu.assume_multiple %add3A_39, 16384 : i32
    %dma_start3A = tpu.memref_slice %arg2[%multiple_of3A] : memref<16777216xf32, #tpu.memory_space<hbm>> -> memref<16384xf32, #tpu.memory_space<hbm>>
    %dma_start3A_40 = tpu.memref_slice %arg2[%multiple_of3A] : memref<16777216xf32, #tpu.memory_space<hbm>> -> memref<16384xf32, #tpu.memory_space<hbm>>
    tpu.enqueue_dma source(%dma_start3A_40 : memref<16384xf32, #tpu.memory_space<hbm>>) target(%arg5 : memref<16384xf32, #tpu.memory_space<vmem>>) target_semaphore(%arg10 : memref<!tpu.dma_semaphore, #tpu.memory_space<semaphore_mem>>)
    %dma_start3A_41 = tpu.memref_slice %arg3[%multiple_of3A] : memref<16777216xf32, #tpu.memory_space<hbm>> -> memref<16384xf32, #tpu.memory_space<hbm>>
    %dma_start3A_42 = tpu.memref_slice %arg3[%multiple_of3A] : memref<16777216xf32, #tpu.memory_space<hbm>> -> memref<16384xf32, #tpu.memory_space<hbm>>
    tpu.enqueue_dma source(%dma_start3A_42 : memref<16384xf32, #tpu.memory_space<hbm>>) target(%arg7 : memref<16384xf32, #tpu.memory_space<vmem>>) target_semaphore(%arg12 : memref<!tpu.dma_semaphore, #tpu.memory_space<semaphore_mem>>)
    %broadcast_in_dim3A = arith.constant 0.000000e+00 : f32
    %broadcast_in_dim3A_43 = vector.broadcast %broadcast_in_dim3A : f32 to vector<16xf32>
    %scan3A = arith.constant 0 : i32
    %scan3A_44 = arith.constant 4 : i32
    %scan3A_45 = arith.addi %scan3A, %scan3A_44 : i32
    %scan3A_46 = arith.constant 1 : i32
    %scan3A_47:8 = scf.for %scan3A_66 = %scan3A to %scan3A_45 step %scan3A_46 iter_args(%scan3A_67 = %broadcast_in_dim3A_43, %scan3A_68 = %broadcast_in_dim3A_43, %scan3A_69 = %broadcast_in_dim3A_43, %scan3A_70 = %broadcast_in_dim3A_43, %scan3A_71 = %broadcast_in_dim3A_43, %scan3A_72 = %broadcast_in_dim3A_43, %scan3A_73 = %broadcast_in_dim3A_43, %scan3A_74 = %broadcast_in_dim3A_43) -> (vector<16xf32>, vector<16xf32>, vector<16xf32>, vector<16xf32>, vector<16xf32>, vector<16xf32>, vector<16xf32>, vector<16xf32>)  : i32 {
      %mul3A_75 = arith.constant 2 : i32
      %mul3A_76 = arith.muli %scan3A_66, %mul3A_75 : i32
      %add3A_77 = arith.constant 1 : i32
      %add3A_78 = arith.addi %mul3A_76, %add3A_77 : i32
      %mul3A_79 = arith.constant 16384 : i32
      %mul3A_80 = arith.muli %add3A_78, %mul3A_79 : i32
      %add3A_81 = arith.addi %add3A_37, %mul3A_80 : i32
      %multiple_of3A_82 = tpu.assume_multiple %add3A_81, 16384 : i32
      %dma_start3A_83 = tpu.memref_slice %arg2[%multiple_of3A_82] : memref<16777216xf32, #tpu.memory_space<hbm>> -> memref<16384xf32, #tpu.memory_space<hbm>>
      %dma_start3A_84 = tpu.memref_slice %arg2[%multiple_of3A_82] : memref<16777216xf32, #tpu.memory_space<hbm>> -> memref<16384xf32, #tpu.memory_space<hbm>>
      tpu.enqueue_dma source(%dma_start3A_84 : memref<16384xf32, #tpu.memory_space<hbm>>) target(%arg6 : memref<16384xf32, #tpu.memory_space<vmem>>) target_semaphore(%arg11 : memref<!tpu.dma_semaphore, #tpu.memory_space<semaphore_mem>>)
      %dma_start3A_85 = tpu.memref_slice %arg3[%multiple_of3A_82] : memref<16777216xf32, #tpu.memory_space<hbm>> -> memref<16384xf32, #tpu.memory_space<hbm>>
      %dma_start3A_86 = tpu.memref_slice %arg3[%multiple_of3A_82] : memref<16777216xf32, #tpu.memory_space<hbm>> -> memref<16384xf32, #tpu.memory_space<hbm>>
      tpu.enqueue_dma source(%dma_start3A_86 : memref<16384xf32, #tpu.memory_space<hbm>>) target(%arg8 : memref<16384xf32, #tpu.memory_space<vmem>>) target_semaphore(%arg13 : memref<!tpu.dma_semaphore, #tpu.memory_space<semaphore_mem>>)
      %dma_wait3A = arith.constant 0 : i32
      %dma_wait3A_87 = tpu.memref_slice %arg2[%dma_wait3A] : memref<16777216xf32, #tpu.memory_space<hbm>> -> memref<16384xf32, #tpu.memory_space<hbm>>
      %dma_wait3A_88 = arith.constant 0 : i32
      %dma_wait3A_89 = tpu.memref_slice %arg2[%dma_wait3A_88] : memref<16777216xf32, #tpu.memory_space<hbm>> -> memref<16384xf32, #tpu.memory_space<hbm>>
      tpu.wait_dma2 semaphore(%arg10 : memref<!tpu.dma_semaphore, #tpu.memory_space<semaphore_mem>>) src(%dma_wait3A_89 : memref<16384xf32, #tpu.memory_space<hbm>>) dst(%arg5 : memref<16384xf32, #tpu.memory_space<vmem>>)
      %dma_wait3A_90 = arith.constant 0 : i32
      %dma_wait3A_91 = tpu.memref_slice %arg3[%dma_wait3A_90] : memref<16777216xf32, #tpu.memory_space<hbm>> -> memref<16384xf32, #tpu.memory_space<hbm>>
      %dma_wait3A_92 = arith.constant 0 : i32
      %dma_wait3A_93 = tpu.memref_slice %arg3[%dma_wait3A_92] : memref<16777216xf32, #tpu.memory_space<hbm>> -> memref<16384xf32, #tpu.memory_space<hbm>>
      tpu.wait_dma2 semaphore(%arg12 : memref<!tpu.dma_semaphore, #tpu.memory_space<semaphore_mem>>) src(%dma_wait3A_93 : memref<16384xf32, #tpu.memory_space<hbm>>) dst(%arg7 : memref<16384xf32, #tpu.memory_space<vmem>>)
      %scan3A_94 = arith.constant 0 : i32
      %scan3A_95 = arith.constant 256 : i32
      %scan3A_96 = arith.addi %scan3A_94, %scan3A_95 : i32
      %scan3A_97 = arith.constant 4 : i32
      %scan3A_98:8 = scf.for %scan3A_119 = %scan3A_94 to %scan3A_96 step %scan3A_97 iter_args(%scan3A_120 = %scan3A_67, %scan3A_121 = %scan3A_68, %scan3A_122 = %scan3A_69, %scan3A_123 = %scan3A_70, %scan3A_124 = %scan3A_71, %scan3A_125 = %scan3A_72, %scan3A_126 = %scan3A_73, %scan3A_127 = %scan3A_74) -> (vector<16xf32>, vector<16xf32>, vector<16xf32>, vector<16xf32>, vector<16xf32>, vector<16xf32>, vector<16xf32>, vector<16xf32>)  : i32 {
        %mul3A_128 = arith.constant 64 : i32
        %mul3A_129 = arith.muli %scan3A_119, %mul3A_128 : i32
        %multiple_of3A_130 = tpu.assume_multiple %mul3A_129, 64 : i32
        %add3A_131 = arith.constant 0 : i32
        %add3A_132 = arith.addi %multiple_of3A_130, %add3A_131 : i32
        %get3A = arith.index_cast %add3A_132 : i32 to index
        %get3A_133 = tpu.vector_load %arg5[%get3A] {strides = array<i32>} : memref<16384xf32, #tpu.memory_space<vmem>>, vector<16xf32>,
        %get3A_134 = vector.shape_cast %get3A_133 : vector<16xf32> to vector<16xf32>
        %add3A_135 = arith.constant 0 : i32
        %add3A_136 = arith.addi %multiple_of3A_130, %add3A_135 : i32
        %get3A_137 = arith.index_cast %add3A_136 : i32 to index
        %get3A_138 = tpu.vector_load %arg7[%get3A_137] {strides = array<i32>} : memref<16384xf32, #tpu.memory_space<vmem>>, vector<16xf32>,
        %get3A_139 = vector.shape_cast %get3A_138 : vector<16xf32> to vector<16xf32>
        %neg3A = arith.constant 0.000000e+00 : f32
        %neg3A_140 = vector.broadcast %neg3A : f32 to vector<16xf32>
        %neg3A_141 = arith.subf %neg3A_140, %get3A_134 : vector<16xf32>
        %exp3A = math.exp %neg3A_141 : vector<16xf32>
        %add3A_142 = arith.constant 1.000000e+00 : f32
        %add3A_143 = vector.broadcast %add3A_142 : f32 to vector<16xf32>
        %add3A_144 = arith.addf %add3A_143, %exp3A : vector<16xf32>
        %div3A_145 = arith.constant 1.000000e+00 : f32
        %div3A_146 = vector.broadcast %div3A_145 : f32 to vector<16xf32>
        %div3A_147 = arith.divf %div3A_146, %add3A_144 : vector<16xf32>
        %mul3A_148 = arith.mulf %div3A_147, %get3A_139 : vector<16xf32>
        %add3A_149 = arith.addf %scan3A_120, %mul3A_148 : vector<16xf32>
        %mul3A_150 = arith.mulf %div3A_147, %div3A_147 : vector<16xf32>
        %add3A_151 = arith.addf %mul3A_150, %get3A_139 : vector<16xf32>
        %add3A_152 = arith.addf %scan3A_121, %add3A_151 : vector<16xf32>
        %add3A_153 = arith.constant 16 : i32
        %add3A_154 = arith.addi %multiple_of3A_130, %add3A_153 : i32
        %get3A_155 = arith.index_cast %add3A_154 : i32 to index
        %get3A_156 = tpu.vector_load %arg5[%get3A_155] {strides = array<i32>} : memref<16384xf32, #tpu.memory_space<vmem>>, vector<16xf32>,
        %get3A_157 = vector.shape_cast %get3A_156 : vector<16xf32> to vector<16xf32>
        %add3A_158 = arith.constant 16 : i32
        %add3A_159 = arith.addi %multiple_of3A_130, %add3A_158 : i32
        %get3A_160 = arith.index_cast %add3A_159 : i32 to index
        %get3A_161 = tpu.vector_load %arg7[%get3A_160] {strides = array<i32>} : memref<16384xf32, #tpu.memory_space<vmem>>, vector<16xf32>,
        %get3A_162 = vector.shape_cast %get3A_161 : vector<16xf32> to vector<16xf32>
        %neg3A_163 = arith.constant 0.000000e+00 : f32
        %neg3A_164 = vector.broadcast %neg3A_163 : f32 to vector<16xf32>
        %neg3A_165 = arith.subf %neg3A_164, %get3A_157 : vector<16xf32>
        %exp3A_166 = math.exp %neg3A_165 : vector<16xf32>
        %add3A_167 = arith.constant 1.000000e+00 : f32
        %add3A_168 = vector.broadcast %add3A_167 : f32 to vector<16xf32>
        %add3A_169 = arith.addf %add3A_168, %exp3A_166 : vector<16xf32>
        %div3A_170 = arith.constant 1.000000e+00 : f32
        %div3A_171 = vector.broadcast %div3A_170 : f32 to vector<16xf32>
        %div3A_172 = arith.divf %div3A_171, %add3A_169 : vector<16xf32>
        %mul3A_173 = arith.mulf %div3A_172, %get3A_162 : vector<16xf32>
        %add3A_174 = arith.addf %scan3A_122, %mul3A_173 : vector<16xf32>
        %mul3A_175 = arith.mulf %div3A_172, %div3A_172 : vector<16xf32>
        %add3A_176 = arith.addf %mul3A_175, %get3A_162 : vector<16xf32>
        %add3A_177 = arith.addf %scan3A_123, %add3A_176 : vector<16xf32>
        %add3A_178 = arith.constant 32 : i32
        %add3A_179 = arith.addi %multiple_of3A_130, %add3A_178 : i32
        %get3A_180 = arith.index_cast %add3A_179 : i32 to index
        %get3A_181 = tpu.vector_load %arg5[%get3A_180] {strides = array<i32>} : memref<16384xf32, #tpu.memory_space<vmem>>, vector<16xf32>,
        %get3A_182 = vector.shape_cast %get3A_181 : vector<16xf32> to vector<16xf32>
        %add3A_183 = arith.constant 32 : i32
        %add3A_184 = arith.addi %multiple_of3A_130, %add3A_183 : i32
        %get3A_185 = arith.index_cast %add3A_184 : i32 to index
        %get3A_186 = tpu.vector_load %arg7[%get3A_185] {strides = array<i32>} : memref<16384xf32, #tpu.memory_space<vmem>>, vector<16xf32>,
        %get3A_187 = vector.shape_cast %get3A_186 : vector<16xf32> to vector<16xf32>
        %neg3A_188 = arith.constant 0.000000e+00 : f32
        %neg3A_189 = vector.broadcast %neg3A_188 : f32 to vector<16xf32>
        %neg3A_190 = arith.subf %neg3A_189, %get3A_182 : vector<16xf32>
        %exp3A_191 = math.exp %neg3A_190 : vector<16xf32>
        %add3A_192 = arith.constant 1.000000e+00 : f32
        %add3A_193 = vector.broadcast %add3A_192 : f32 to vector<16xf32>
        %add3A_194 = arith.addf %add3A_193, %exp3A_191 : vector<16xf32>
        %div3A_195 = arith.constant 1.000000e+00 : f32
        %div3A_196 = vector.broadcast %div3A_195 : f32 to vector<16xf32>
        %div3A_197 = arith.divf %div3A_196, %add3A_194 : vector<16xf32>
        %mul3A_198 = arith.mulf %div3A_197, %get3A_187 : vector<16xf32>
        %add3A_199 = arith.addf %scan3A_124, %mul3A_198 : vector<16xf32>
        %mul3A_200 = arith.mulf %div3A_197, %div3A_197 : vector<16xf32>
        %add3A_201 = arith.addf %mul3A_200, %get3A_187 : vector<16xf32>
        %add3A_202 = arith.addf %scan3A_125, %add3A_201 : vector<16xf32>
        %add3A_203 = arith.constant 48 : i32
        %add3A_204 = arith.addi %multiple_of3A_130, %add3A_203 : i32
        %get3A_205 = arith.index_cast %add3A_204 : i32 to index
        %get3A_206 = tpu.vector_load %arg5[%get3A_205] {strides = array<i32>} : memref<16384xf32, #tpu.memory_space<vmem>>, vector<16xf32>,
        %get3A_207 = vector.shape_cast %get3A_206 : vector<16xf32> to vector<16xf32>
        %add3A_208 = arith.constant 48 : i32
        %add3A_209 = arith.addi %multiple_of3A_130, %add3A_208 : i32
        %get3A_210 = arith.index_cast %add3A_209 : i32 to index
        %get3A_211 = tpu.vector_load %arg7[%get3A_210] {strides = array<i32>} : memref<16384xf32, #tpu.memory_space<vmem>>, vector<16xf32>,
        %get3A_212 = vector.shape_cast %get3A_211 : vector<16xf32> to vector<16xf32>
        %neg3A_213 = arith.constant 0.000000e+00 : f32
        %neg3A_214 = vector.broadcast %neg3A_213 : f32 to vector<16xf32>
        %neg3A_215 = arith.subf %neg3A_214, %get3A_207 : vector<16xf32>
        %exp3A_216 = math.exp %neg3A_215 : vector<16xf32>
        %add3A_217 = arith.constant 1.000000e+00 : f32
        %add3A_218 = vector.broadcast %add3A_217 : f32 to vector<16xf32>
        %add3A_219 = arith.addf %add3A_218, %exp3A_216 : vector<16xf32>
        %div3A_220 = arith.constant 1.000000e+00 : f32
        %div3A_221 = vector.broadcast %div3A_220 : f32 to vector<16xf32>
        %div3A_222 = arith.divf %div3A_221, %add3A_219 : vector<16xf32>
        %mul3A_223 = arith.mulf %div3A_222, %get3A_212 : vector<16xf32>
        %add3A_224 = arith.addf %scan3A_126, %mul3A_223 : vector<16xf32>
        %mul3A_225 = arith.mulf %div3A_222, %div3A_222 : vector<16xf32>
        %add3A_226 = arith.addf %mul3A_225, %get3A_212 : vector<16xf32>
        %add3A_227 = arith.addf %scan3A_127, %add3A_226 : vector<16xf32>
        %scan3A_228 = arith.constant 1 : i32
        %scan3A_229 = arith.addi %scan3A_119, %scan3A_228 : i32
        %mul3A_230 = arith.constant 64 : i32
        %mul3A_231 = arith.muli %scan3A_229, %mul3A_230 : i32
        %multiple_of3A_232 = tpu.assume_multiple %mul3A_231, 64 : i32
        %add3A_233 = arith.constant 0 : i32
        %add3A_234 = arith.addi %multiple_of3A_232, %add3A_233 : i32
        %get3A_235 = arith.index_cast %add3A_234 : i32 to index
        %get3A_236 = tpu.vector_load %arg5[%get3A_235] {strides = array<i32>} : memref<16384xf32, #tpu.memory_space<vmem>>, vector<16xf32>,
        %get3A_237 = vector.shape_cast %get3A_236 : vector<16xf32> to vector<16xf32>
        %add3A_238 = arith.constant 0 : i32
        %add3A_239 = arith.addi %multiple_of3A_232, %add3A_238 : i32
        %get3A_240 = arith.index_cast %add3A_239 : i32 to index
        %get3A_241 = tpu.vector_load %arg7[%get3A_240] {strides = array<i32>} : memref<16384xf32, #tpu.memory_space<vmem>>, vector<16xf32>,
        %get3A_242 = vector.shape_cast %get3A_241 : vector<16xf32> to vector<16xf32>
        %neg3A_243 = arith.constant 0.000000e+00 : f32
        %neg3A_244 = vector.broadcast %neg3A_243 : f32 to vector<16xf32>
        %neg3A_245 = arith.subf %neg3A_244, %get3A_237 : vector<16xf32>
        %exp3A_246 = math.exp %neg3A_245 : vector<16xf32>
        %add3A_247 = arith.constant 1.000000e+00 : f32
        %add3A_248 = vector.broadcast %add3A_247 : f32 to vector<16xf32>
        %add3A_249 = arith.addf %add3A_248, %exp3A_246 : vector<16xf32>
        %div3A_250 = arith.constant 1.000000e+00 : f32
        %div3A_251 = vector.broadcast %div3A_250 : f32 to vector<16xf32>
        %div3A_252 = arith.divf %div3A_251, %add3A_249 : vector<16xf32>
        %mul3A_253 = arith.mulf %div3A_252, %get3A_242 : vector<16xf32>
        %add3A_254 = arith.addf %add3A_149, %mul3A_253 : vector<16xf32>
        %mul3A_255 = arith.mulf %div3A_252, %div3A_252 : vector<16xf32>
        %add3A_256 = arith.addf %mul3A_255, %get3A_242 : vector<16xf32>
        %add3A_257 = arith.addf %add3A_152, %add3A_256 : vector<16xf32>
        %add3A_258 = arith.constant 16 : i32
        %add3A_259 = arith.addi %multiple_of3A_232, %add3A_258 : i32
        %get3A_260 = arith.index_cast %add3A_259 : i32 to index
        %get3A_261 = tpu.vector_load %arg5[%get3A_260] {strides = array<i32>} : memref<16384xf32, #tpu.memory_space<vmem>>, vector<16xf32>,
        %get3A_262 = vector.shape_cast %get3A_261 : vector<16xf32> to vector<16xf32>
        %add3A_263 = arith.constant 16 : i32
        %add3A_264 = arith.addi %multiple_of3A_232, %add3A_263 : i32
        %get3A_265 = arith.index_cast %add3A_264 : i32 to index
        %get3A_266 = tpu.vector_load %arg7[%get3A_265] {strides = array<i32>} : memref<16384xf32, #tpu.memory_space<vmem>>, vector<16xf32>,
        %get3A_267 = vector.shape_cast %get3A_266 : vector<16xf32> to vector<16xf32>
        %neg3A_268 = arith.constant 0.000000e+00 : f32
        %neg3A_269 = vector.broadcast %neg3A_268 : f32 to vector<16xf32>
        %neg3A_270 = arith.subf %neg3A_269, %get3A_262 : vector<16xf32>
        %exp3A_271 = math.exp %neg3A_270 : vector<16xf32>
        %add3A_272 = arith.constant 1.000000e+00 : f32
        %add3A_273 = vector.broadcast %add3A_272 : f32 to vector<16xf32>
        %add3A_274 = arith.addf %add3A_273, %exp3A_271 : vector<16xf32>
        %div3A_275 = arith.constant 1.000000e+00 : f32
        %div3A_276 = vector.broadcast %div3A_275 : f32 to vector<16xf32>
        %div3A_277 = arith.divf %div3A_276, %add3A_274 : vector<16xf32>
        %mul3A_278 = arith.mulf %div3A_277, %get3A_267 : vector<16xf32>
        %add3A_279 = arith.addf %add3A_174, %mul3A_278 : vector<16xf32>
        %mul3A_280 = arith.mulf %div3A_277, %div3A_277 : vector<16xf32>
        %add3A_281 = arith.addf %mul3A_280, %get3A_267 : vector<16xf32>
        %add3A_282 = arith.addf %add3A_177, %add3A_281 : vector<16xf32>
        %add3A_283 = arith.constant 32 : i32
        %add3A_284 = arith.addi %multiple_of3A_232, %add3A_283 : i32
        %get3A_285 = arith.index_cast %add3A_284 : i32 to index
        %get3A_286 = tpu.vector_load %arg5[%get3A_285] {strides = array<i32>} : memref<16384xf32, #tpu.memory_space<vmem>>, vector<16xf32>,
        %get3A_287 = vector.shape_cast %get3A_286 : vector<16xf32> to vector<16xf32>
        %add3A_288 = arith.constant 32 : i32
        %add3A_289 = arith.addi %multiple_of3A_232, %add3A_288 : i32
        %get3A_290 = arith.index_cast %add3A_289 : i32 to index
        %get3A_291 = tpu.vector_load %arg7[%get3A_290] {strides = array<i32>} : memref<16384xf32, #tpu.memory_space<vmem>>, vector<16xf32>,
        %get3A_292 = vector.shape_cast %get3A_291 : vector<16xf32> to vector<16xf32>
        %neg3A_293 = arith.constant 0.000000e+00 : f32
        %neg3A_294 = vector.broadcast %neg3A_293 : f32 to vector<16xf32>
        %neg3A_295 = arith.subf %neg3A_294, %get3A_287 : vector<16xf32>
        %exp3A_296 = math.exp %neg3A_295 : vector<16xf32>
        %add3A_297 = arith.constant 1.000000e+00 : f32
        %add3A_298 = vector.broadcast %add3A_297 : f32 to vector<16xf32>
        %add3A_299 = arith.addf %add3A_298, %exp3A_296 : vector<16xf32>
        %div3A_300 = arith.constant 1.000000e+00 : f32
        %div3A_301 = vector.broadcast %div3A_300 : f32 to vector<16xf32>
        %div3A_302 = arith.divf %div3A_301, %add3A_299 : vector<16xf32>
        %mul3A_303 = arith.mulf %div3A_302, %get3A_292 : vector<16xf32>
        %add3A_304 = arith.addf %add3A_199, %mul3A_303 : vector<16xf32>
        %mul3A_305 = arith.mulf %div3A_302, %div3A_302 : vector<16xf32>
        %add3A_306 = arith.addf %mul3A_305, %get3A_292 : vector<16xf32>
        %add3A_307 = arith.addf %add3A_202, %add3A_306 : vector<16xf32>
        %add3A_308 = arith.constant 48 : i32
        %add3A_309 = arith.addi %multiple_of3A_232, %add3A_308 : i32
        %get3A_310 = arith.index_cast %add3A_309 : i32 to index
        %get3A_311 = tpu.vector_load %arg5[%get3A_310] {strides = array<i32>} : memref<16384xf32, #tpu.memory_space<vmem>>, vector<16xf32>,
        %get3A_312 = vector.shape_cast %get3A_311 : vector<16xf32> to vector<16xf32>
        %add3A_313 = arith.constant 48 : i32
        %add3A_314 = arith.addi %multiple_of3A_232, %add3A_313 : i32
        %get3A_315 = arith.index_cast %add3A_314 : i32 to index
        %get3A_316 = tpu.vector_load %arg7[%get3A_315] {strides = array<i32>} : memref<16384xf32, #tpu.memory_space<vmem>>, vector<16xf32>,
        %get3A_317 = vector.shape_cast %get3A_316 : vector<16xf32> to vector<16xf32>
        %neg3A_318 = arith.constant 0.000000e+00 : f32
        %neg3A_319 = vector.broadcast %neg3A_318 : f32 to vector<16xf32>
        %neg3A_320 = arith.subf %neg3A_319, %get3A_312 : vector<16xf32>
        %exp3A_321 = math.exp %neg3A_320 : vector<16xf32>
        %add3A_322 = arith.constant 1.000000e+00 : f32
        %add3A_323 = vector.broadcast %add3A_322 : f32 to vector<16xf32>
        %add3A_324 = arith.addf %add3A_323, %exp3A_321 : vector<16xf32>
        %div3A_325 = arith.constant 1.000000e+00 : f32
        %div3A_326 = vector.broadcast %div3A_325 : f32 to vector<16xf32>
        %div3A_327 = arith.divf %div3A_326, %add3A_324 : vector<16xf32>
        %mul3A_328 = arith.mulf %div3A_327, %get3A_317 : vector<16xf32>
        %add3A_329 = arith.addf %add3A_224, %mul3A_328 : vector<16xf32>
        %mul3A_330 = arith.mulf %div3A_327, %div3A_327 : vector<16xf32>
        %add3A_331 = arith.addf %mul3A_330, %get3A_317 : vector<16xf32>
        %add3A_332 = arith.addf %add3A_227, %add3A_331 : vector<16xf32>
        %scan3A_333 = arith.constant 2 : i32
        %scan3A_334 = arith.addi %scan3A_119, %scan3A_333 : i32
        %mul3A_335 = arith.constant 64 : i32
        %mul3A_336 = arith.muli %scan3A_334, %mul3A_335 : i32
        %multiple_of3A_337 = tpu.assume_multiple %mul3A_336, 64 : i32
        %add3A_338 = arith.constant 0 : i32
        %add3A_339 = arith.addi %multiple_of3A_337, %add3A_338 : i32
        %get3A_340 = arith.index_cast %add3A_339 : i32 to index
        %get3A_341 = tpu.vector_load %arg5[%get3A_340] {strides = array<i32>} : memref<16384xf32, #tpu.memory_space<vmem>>, vector<16xf32>,
        %get3A_342 = vector.shape_cast %get3A_341 : vector<16xf32> to vector<16xf32>
        %add3A_343 = arith.constant 0 : i32
        %add3A_344 = arith.addi %multiple_of3A_337, %add3A_343 : i32
        %get3A_345 = arith.index_cast %add3A_344 : i32 to index
        %get3A_346 = tpu.vector_load %arg7[%get3A_345] {strides = array<i32>} : memref<16384xf32, #tpu.memory_space<vmem>>, vector<16xf32>,
        %get3A_347 = vector.shape_cast %get3A_346 : vector<16xf32> to vector<16xf32>
        %neg3A_348 = arith.constant 0.000000e+00 : f32
        %neg3A_349 = vector.broadcast %neg3A_348 : f32 to vector<16xf32>
        %neg3A_350 = arith.subf %neg3A_349, %get3A_342 : vector<16xf32>
        %exp3A_351 = math.exp %neg3A_350 : vector<16xf32>
        %add3A_352 = arith.constant 1.000000e+00 : f32
        %add3A_353 = vector.broadcast %add3A_352 : f32 to vector<16xf32>
        %add3A_354 = arith.addf %add3A_353, %exp3A_351 : vector<16xf32>
        %div3A_355 = arith.constant 1.000000e+00 : f32
        %div3A_356 = vector.broadcast %div3A_355 : f32 to vector<16xf32>
        %div3A_357 = arith.divf %div3A_356, %add3A_354 : vector<16xf32>
        %mul3A_358 = arith.mulf %div3A_357, %get3A_347 : vector<16xf32>
        %add3A_359 = arith.addf %add3A_254, %mul3A_358 : vector<16xf32>
        %mul3A_360 = arith.mulf %div3A_357, %div3A_357 : vector<16xf32>
        %add3A_361 = arith.addf %mul3A_360, %get3A_347 : vector<16xf32>
        %add3A_362 = arith.addf %add3A_257, %add3A_361 : vector<16xf32>
        %add3A_363 = arith.constant 16 : i32
        %add3A_364 = arith.addi %multiple_of3A_337, %add3A_363 : i32
        %get3A_365 = arith.index_cast %add3A_364 : i32 to index
        %get3A_366 = tpu.vector_load %arg5[%get3A_365] {strides = array<i32>} : memref<16384xf32, #tpu.memory_space<vmem>>, vector<16xf32>,
        %get3A_367 = vector.shape_cast %get3A_366 : vector<16xf32> to vector<16xf32>
        %add3A_368 = arith.constant 16 : i32
        %add3A_369 = arith.addi %multiple_of3A_337, %add3A_368 : i32
        %get3A_370 = arith.index_cast %add3A_369 : i32 to index
        %get3A_371 = tpu.vector_load %arg7[%get3A_370] {strides = array<i32>} : memref<16384xf32, #tpu.memory_space<vmem>>, vector<16xf32>,
        %get3A_372 = vector.shape_cast %get3A_371 : vector<16xf32> to vector<16xf32>
        %neg3A_373 = arith.constant 0.000000e+00 : f32
        %neg3A_374 = vector.broadcast %neg3A_373 : f32 to vector<16xf32>
        %neg3A_375 = arith.subf %neg3A_374, %get3A_367 : vector<16xf32>
        %exp3A_376 = math.exp %neg3A_375 : vector<16xf32>
        %add3A_377 = arith.constant 1.000000e+00 : f32
        %add3A_378 = vector.broadcast %add3A_377 : f32 to vector<16xf32>
        %add3A_379 = arith.addf %add3A_378, %exp3A_376 : vector<16xf32>
        %div3A_380 = arith.constant 1.000000e+00 : f32
        %div3A_381 = vector.broadcast %div3A_380 : f32 to vector<16xf32>
        %div3A_382 = arith.divf %div3A_381, %add3A_379 : vector<16xf32>
        %mul3A_383 = arith.mulf %div3A_382, %get3A_372 : vector<16xf32>
        %add3A_384 = arith.addf %add3A_279, %mul3A_383 : vector<16xf32>
        %mul3A_385 = arith.mulf %div3A_382, %div3A_382 : vector<16xf32>
        %add3A_386 = arith.addf %mul3A_385, %get3A_372 : vector<16xf32>
        %add3A_387 = arith.addf %add3A_282, %add3A_386 : vector<16xf32>
        %add3A_388 = arith.constant 32 : i32
        %add3A_389 = arith.addi %multiple_of3A_337, %add3A_388 : i32
        %get3A_390 = arith.index_cast %add3A_389 : i32 to index
        %get3A_391 = tpu.vector_load %arg5[%get3A_390] {strides = array<i32>} : memref<16384xf32, #tpu.memory_space<vmem>>, vector<16xf32>,
        %get3A_392 = vector.shape_cast %get3A_391 : vector<16xf32> to vector<16xf32>
        %add3A_393 = arith.constant 32 : i32
        %add3A_394 = arith.addi %multiple_of3A_337, %add3A_393 : i32
        %get3A_395 = arith.index_cast %add3A_394 : i32 to index
        %get3A_396 = tpu.vector_load %arg7[%get3A_395] {strides = array<i32>} : memref<16384xf32, #tpu.memory_space<vmem>>, vector<16xf32>,
        %get3A_397 = vector.shape_cast %get3A_396 : vector<16xf32> to vector<16xf32>
        %neg3A_398 = arith.constant 0.000000e+00 : f32
        %neg3A_399 = vector.broadcast %neg3A_398 : f32 to vector<16xf32>
        %neg3A_400 = arith.subf %neg3A_399, %get3A_392 : vector<16xf32>
        %exp3A_401 = math.exp %neg3A_400 : vector<16xf32>
        %add3A_402 = arith.constant 1.000000e+00 : f32
        %add3A_403 = vector.broadcast %add3A_402 : f32 to vector<16xf32>
        %add3A_404 = arith.addf %add3A_403, %exp3A_401 : vector<16xf32>
        %div3A_405 = arith.constant 1.000000e+00 : f32
        %div3A_406 = vector.broadcast %div3A_405 : f32 to vector<16xf32>
        %div3A_407 = arith.divf %div3A_406, %add3A_404 : vector<16xf32>
        %mul3A_408 = arith.mulf %div3A_407, %get3A_397 : vector<16xf32>
        %add3A_409 = arith.addf %add3A_304, %mul3A_408 : vector<16xf32>
        %mul3A_410 = arith.mulf %div3A_407, %div3A_407 : vector<16xf32>
        %add3A_411 = arith.addf %mul3A_410, %get3A_397 : vector<16xf32>
        %add3A_412 = arith.addf %add3A_307, %add3A_411 : vector<16xf32>
        %add3A_413 = arith.constant 48 : i32
        %add3A_414 = arith.addi %multiple_of3A_337, %add3A_413 : i32
        %get3A_415 = arith.index_cast %add3A_414 : i32 to index
        %get3A_416 = tpu.vector_load %arg5[%get3A_415] {strides = array<i32>} : memref<16384xf32, #tpu.memory_space<vmem>>, vector<16xf32>,
        %get3A_417 = vector.shape_cast %get3A_416 : vector<16xf32> to vector<16xf32>
        %add3A_418 = arith.constant 48 : i32
        %add3A_419 = arith.addi %multiple_of3A_337, %add3A_418 : i32
        %get3A_420 = arith.index_cast %add3A_419 : i32 to index
        %get3A_421 = tpu.vector_load %arg7[%get3A_420] {strides = array<i32>} : memref<16384xf32, #tpu.memory_space<vmem>>, vector<16xf32>,
        %get3A_422 = vector.shape_cast %get3A_421 : vector<16xf32> to vector<16xf32>
        %neg3A_423 = arith.constant 0.000000e+00 : f32
        %neg3A_424 = vector.broadcast %neg3A_423 : f32 to vector<16xf32>
        %neg3A_425 = arith.subf %neg3A_424, %get3A_417 : vector<16xf32>
        %exp3A_426 = math.exp %neg3A_425 : vector<16xf32>
        %add3A_427 = arith.constant 1.000000e+00 : f32
        %add3A_428 = vector.broadcast %add3A_427 : f32 to vector<16xf32>
        %add3A_429 = arith.addf %add3A_428, %exp3A_426 : vector<16xf32>
        %div3A_430 = arith.constant 1.000000e+00 : f32
        %div3A_431 = vector.broadcast %div3A_430 : f32 to vector<16xf32>
        %div3A_432 = arith.divf %div3A_431, %add3A_429 : vector<16xf32>
        %mul3A_433 = arith.mulf %div3A_432, %get3A_422 : vector<16xf32>
        %add3A_434 = arith.addf %add3A_329, %mul3A_433 : vector<16xf32>
        %mul3A_435 = arith.mulf %div3A_432, %div3A_432 : vector<16xf32>
        %add3A_436 = arith.addf %mul3A_435, %get3A_422 : vector<16xf32>
        %add3A_437 = arith.addf %add3A_332, %add3A_436 : vector<16xf32>
        %scan3A_438 = arith.constant 3 : i32
        %scan3A_439 = arith.addi %scan3A_119, %scan3A_438 : i32
        %mul3A_440 = arith.constant 64 : i32
        %mul3A_441 = arith.muli %scan3A_439, %mul3A_440 : i32
        %multiple_of3A_442 = tpu.assume_multiple %mul3A_441, 64 : i32
        %add3A_443 = arith.constant 0 : i32
        %add3A_444 = arith.addi %multiple_of3A_442, %add3A_443 : i32
        %get3A_445 = arith.index_cast %add3A_444 : i32 to index
        %get3A_446 = tpu.vector_load %arg5[%get3A_445] {strides = array<i32>} : memref<16384xf32, #tpu.memory_space<vmem>>, vector<16xf32>,
        %get3A_447 = vector.shape_cast %get3A_446 : vector<16xf32> to vector<16xf32>
        %add3A_448 = arith.constant 0 : i32
        %add3A_449 = arith.addi %multiple_of3A_442, %add3A_448 : i32
        %get3A_450 = arith.index_cast %add3A_449 : i32 to index
        %get3A_451 = tpu.vector_load %arg7[%get3A_450] {strides = array<i32>} : memref<16384xf32, #tpu.memory_space<vmem>>, vector<16xf32>,
        %get3A_452 = vector.shape_cast %get3A_451 : vector<16xf32> to vector<16xf32>
        %neg3A_453 = arith.constant 0.000000e+00 : f32
        %neg3A_454 = vector.broadcast %neg3A_453 : f32 to vector<16xf32>
        %neg3A_455 = arith.subf %neg3A_454, %get3A_447 : vector<16xf32>
        %exp3A_456 = math.exp %neg3A_455 : vector<16xf32>
        %add3A_457 = arith.constant 1.000000e+00 : f32
        %add3A_458 = vector.broadcast %add3A_457 : f32 to vector<16xf32>
        %add3A_459 = arith.addf %add3A_458, %exp3A_456 : vector<16xf32>
        %div3A_460 = arith.constant 1.000000e+00 : f32
        %div3A_461 = vector.broadcast %div3A_460 : f32 to vector<16xf32>
        %div3A_462 = arith.divf %div3A_461, %add3A_459 : vector<16xf32>
        %mul3A_463 = arith.mulf %div3A_462, %get3A_452 : vector<16xf32>
        %add3A_464 = arith.addf %add3A_359, %mul3A_463 : vector<16xf32>
        %mul3A_465 = arith.mulf %div3A_462, %div3A_462 : vector<16xf32>
        %add3A_466 = arith.addf %mul3A_465, %get3A_452 : vector<16xf32>
        %add3A_467 = arith.addf %add3A_362, %add3A_466 : vector<16xf32>
        %add3A_468 = arith.constant 16 : i32
        %add3A_469 = arith.addi %multiple_of3A_442, %add3A_468 : i32
        %get3A_470 = arith.index_cast %add3A_469 : i32 to index
        %get3A_471 = tpu.vector_load %arg5[%get3A_470] {strides = array<i32>} : memref<16384xf32, #tpu.memory_space<vmem>>, vector<16xf32>,
        %get3A_472 = vector.shape_cast %get3A_471 : vector<16xf32> to vector<16xf32>
        %add3A_473 = arith.constant 16 : i32
        %add3A_474 = arith.addi %multiple_of3A_442, %add3A_473 : i32
        %get3A_475 = arith.index_cast %add3A_474 : i32 to index
        %get3A_476 = tpu.vector_load %arg7[%get3A_475] {strides = array<i32>} : memref<16384xf32, #tpu.memory_space<vmem>>, vector<16xf32>,
        %get3A_477 = vector.shape_cast %get3A_476 : vector<16xf32> to vector<16xf32>
        %neg3A_478 = arith.constant 0.000000e+00 : f32
        %neg3A_479 = vector.broadcast %neg3A_478 : f32 to vector<16xf32>
        %neg3A_480 = arith.subf %neg3A_479, %get3A_472 : vector<16xf32>
        %exp3A_481 = math.exp %neg3A_480 : vector<16xf32>
        %add3A_482 = arith.constant 1.000000e+00 : f32
        %add3A_483 = vector.broadcast %add3A_482 : f32 to vector<16xf32>
        %add3A_484 = arith.addf %add3A_483, %exp3A_481 : vector<16xf32>
        %div3A_485 = arith.constant 1.000000e+00 : f32
        %div3A_486 = vector.broadcast %div3A_485 : f32 to vector<16xf32>
        %div3A_487 = arith.divf %div3A_486, %add3A_484 : vector<16xf32>
        %mul3A_488 = arith.mulf %div3A_487, %get3A_477 : vector<16xf32>
        %add3A_489 = arith.addf %add3A_384, %mul3A_488 : vector<16xf32>
        %mul3A_490 = arith.mulf %div3A_487, %div3A_487 : vector<16xf32>
        %add3A_491 = arith.addf %mul3A_490, %get3A_477 : vector<16xf32>
        %add3A_492 = arith.addf %add3A_387, %add3A_491 : vector<16xf32>
        %add3A_493 = arith.constant 32 : i32
        %add3A_494 = arith.addi %multiple_of3A_442, %add3A_493 : i32
        %get3A_495 = arith.index_cast %add3A_494 : i32 to index
        %get3A_496 = tpu.vector_load %arg5[%get3A_495] {strides = array<i32>} : memref<16384xf32, #tpu.memory_space<vmem>>, vector<16xf32>,
        %get3A_497 = vector.shape_cast %get3A_496 : vector<16xf32> to vector<16xf32>
        %add3A_498 = arith.constant 32 : i32
        %add3A_499 = arith.addi %multiple_of3A_442, %add3A_498 : i32
        %get3A_500 = arith.index_cast %add3A_499 : i32 to index
        %get3A_501 = tpu.vector_load %arg7[%get3A_500] {strides = array<i32>} : memref<16384xf32, #tpu.memory_space<vmem>>, vector<16xf32>,
        %get3A_502 = vector.shape_cast %get3A_501 : vector<16xf32> to vector<16xf32>
        %neg3A_503 = arith.constant 0.000000e+00 : f32
        %neg3A_504 = vector.broadcast %neg3A_503 : f32 to vector<16xf32>
        %neg3A_505 = arith.subf %neg3A_504, %get3A_497 : vector<16xf32>
        %exp3A_506 = math.exp %neg3A_505 : vector<16xf32>
        %add3A_507 = arith.constant 1.000000e+00 : f32
        %add3A_508 = vector.broadcast %add3A_507 : f32 to vector<16xf32>
        %add3A_509 = arith.addf %add3A_508, %exp3A_506 : vector<16xf32>
        %div3A_510 = arith.constant 1.000000e+00 : f32
        %div3A_511 = vector.broadcast %div3A_510 : f32 to vector<16xf32>
        %div3A_512 = arith.divf %div3A_511, %add3A_509 : vector<16xf32>
        %mul3A_513 = arith.mulf %div3A_512, %get3A_502 : vector<16xf32>
        %add3A_514 = arith.addf %add3A_409, %mul3A_513 : vector<16xf32>
        %mul3A_515 = arith.mulf %div3A_512, %div3A_512 : vector<16xf32>
        %add3A_516 = arith.addf %mul3A_515, %get3A_502 : vector<16xf32>
        %add3A_517 = arith.addf %add3A_412, %add3A_516 : vector<16xf32>
        %add3A_518 = arith.constant 48 : i32
        %add3A_519 = arith.addi %multiple_of3A_442, %add3A_518 : i32
        %get3A_520 = arith.index_cast %add3A_519 : i32 to index
        %get3A_521 = tpu.vector_load %arg5[%get3A_520] {strides = array<i32>} : memref<16384xf32, #tpu.memory_space<vmem>>, vector<16xf32>,
        %get3A_522 = vector.shape_cast %get3A_521 : vector<16xf32> to vector<16xf32>
        %add3A_523 = arith.constant 48 : i32
        %add3A_524 = arith.addi %multiple_of3A_442, %add3A_523 : i32
        %get3A_525 = arith.index_cast %add3A_524 : i32 to index
        %get3A_526 = tpu.vector_load %arg7[%get3A_525] {strides = array<i32>} : memref<16384xf32, #tpu.memory_space<vmem>>, vector<16xf32>,
        %get3A_527 = vector.shape_cast %get3A_526 : vector<16xf32> to vector<16xf32>
        %neg3A_528 = arith.constant 0.000000e+00 : f32
        %neg3A_529 = vector.broadcast %neg3A_528 : f32 to vector<16xf32>
        %neg3A_530 = arith.subf %neg3A_529, %get3A_522 : vector<16xf32>
        %exp3A_531 = math.exp %neg3A_530 : vector<16xf32>
        %add3A_532 = arith.constant 1.000000e+00 : f32
        %add3A_533 = vector.broadcast %add3A_532 : f32 to vector<16xf32>
        %add3A_534 = arith.addf %add3A_533, %exp3A_531 : vector<16xf32>
        %div3A_535 = arith.constant 1.000000e+00 : f32
        %div3A_536 = vector.broadcast %div3A_535 : f32 to vector<16xf32>
        %div3A_537 = arith.divf %div3A_536, %add3A_534 : vector<16xf32>
        %mul3A_538 = arith.mulf %div3A_537, %get3A_527 : vector<16xf32>
        %add3A_539 = arith.addf %add3A_434, %mul3A_538 : vector<16xf32>
        %mul3A_540 = arith.mulf %div3A_537, %div3A_537 : vector<16xf32>
        %add3A_541 = arith.addf %mul3A_540, %get3A_527 : vector<16xf32>
        %add3A_542 = arith.addf %add3A_437, %add3A_541 : vector<16xf32>
        scf.yield %add3A_464, %add3A_467, %add3A_489, %add3A_492, %add3A_514, %add3A_517, %add3A_539, %add3A_542 : vector<16xf32>, vector<16xf32>, vector<16xf32>, vector<16xf32>, vector<16xf32>, vector<16xf32>, vector<16xf32>, vector<16xf32>
      }
      %scan3A_99 = arith.constant 256 : i32
      %add3A_100 = arith.constant 2 : i32
      %add3A_101 = arith.addi %mul3A_76, %add3A_100 : i32
      %lt3A_102 = arith.constant 8 : i32
      %lt3A_103 = arith.cmpi slt, %add3A_101, %lt3A_102 : i32
      %convert_element_type3A = arith.extui %lt3A_103 : i1 to i32
      %cond3A = arith.constant 0 : i32
      %cond3A_104 = arith.cmpi ne, %convert_element_type3A, %cond3A : i32
      scf.if %cond3A_104 {
        %add3A_119 = arith.constant 2 : i32
        %add3A_120 = arith.addi %mul3A_76, %add3A_119 : i32
        %mul3A_121 = arith.constant 16384 : i32
        %mul3A_122 = arith.muli %add3A_120, %mul3A_121 : i32
        %add3A_123 = arith.addi %add3A_37, %mul3A_122 : i32
        %multiple_of3A_124 = tpu.assume_multiple %add3A_123, 16384 : i32
        %dma_start3A_125 = tpu.memref_slice %arg2[%multiple_of3A_124] : memref<16777216xf32, #tpu.memory_space<hbm>> -> memref<16384xf32, #tpu.memory_space<hbm>>
        %dma_start3A_126 = tpu.memref_slice %arg2[%multiple_of3A_124] : memref<16777216xf32, #tpu.memory_space<hbm>> -> memref<16384xf32, #tpu.memory_space<hbm>>
        tpu.enqueue_dma source(%dma_start3A_126 : memref<16384xf32, #tpu.memory_space<hbm>>) target(%arg5 : memref<16384xf32, #tpu.memory_space<vmem>>) target_semaphore(%arg10 : memref<!tpu.dma_semaphore, #tpu.memory_space<semaphore_mem>>)
        %dma_start3A_127 = tpu.memref_slice %arg3[%multiple_of3A_124] : memref<16777216xf32, #tpu.memory_space<hbm>> -> memref<16384xf32, #tpu.memory_space<hbm>>
        %dma_start3A_128 = tpu.memref_slice %arg3[%multiple_of3A_124] : memref<16777216xf32, #tpu.memory_space<hbm>> -> memref<16384xf32, #tpu.memory_space<hbm>>
        tpu.enqueue_dma source(%dma_start3A_128 : memref<16384xf32, #tpu.memory_space<hbm>>) target(%arg7 : memref<16384xf32, #tpu.memory_space<vmem>>) target_semaphore(%arg12 : memref<!tpu.dma_semaphore, #tpu.memory_space<semaphore_mem>>)
      } else {
      }
      %dma_wait3A_105 = arith.constant 0 : i32
      %dma_wait3A_106 = tpu.memref_slice %arg2[%dma_wait3A_105] : memref<16777216xf32, #tpu.memory_space<hbm>> -> memref<16384xf32, #tpu.memory_space<hbm>>
      %dma_wait3A_107 = arith.constant 0 : i32
      %dma_wait3A_108 = tpu.memref_slice %arg2[%dma_wait3A_107] : memref<16777216xf32, #tpu.memory_space<hbm>> -> memref<16384xf32, #tpu.memory_space<hbm>>
      tpu.wait_dma2 semaphore(%arg11 : memref<!tpu.dma_semaphore, #tpu.memory_space<semaphore_mem>>) src(%dma_wait3A_108 : memref<16384xf32, #tpu.memory_space<hbm>>) dst(%arg6 : memref<16384xf32, #tpu.memory_space<vmem>>)
      %dma_wait3A_109 = arith.constant 0 : i32
      %dma_wait3A_110 = tpu.memref_slice %arg3[%dma_wait3A_109] : memref<16777216xf32, #tpu.memory_space<hbm>> -> memref<16384xf32, #tpu.memory_space<hbm>>
      %dma_wait3A_111 = arith.constant 0 : i32
      %dma_wait3A_112 = tpu.memref_slice %arg3[%dma_wait3A_111] : memref<16777216xf32, #tpu.memory_space<hbm>> -> memref<16384xf32, #tpu.memory_space<hbm>>
      tpu.wait_dma2 semaphore(%arg13 : memref<!tpu.dma_semaphore, #tpu.memory_space<semaphore_mem>>) src(%dma_wait3A_112 : memref<16384xf32, #tpu.memory_space<hbm>>) dst(%arg8 : memref<16384xf32, #tpu.memory_space<vmem>>)
      %scan3A_113 = arith.constant 0 : i32
      %scan3A_114 = arith.constant 256 : i32
      %scan3A_115 = arith.addi %scan3A_113, %scan3A_114 : i32
      %scan3A_116 = arith.constant 4 : i32
      %scan3A_117:8 = scf.for %scan3A_119 = %scan3A_113 to %scan3A_115 step %scan3A_116 iter_args(%scan3A_120 = %scan3A_98#0, %scan3A_121 = %scan3A_98#1, %scan3A_122 = %scan3A_98#2, %scan3A_123 = %scan3A_98#3, %scan3A_124 = %scan3A_98#4, %scan3A_125 = %scan3A_98#5, %scan3A_126 = %scan3A_98#6, %scan3A_127 = %scan3A_98#7) -> (vector<16xf32>, vector<16xf32>, vector<16xf32>, vector<16xf32>, vector<16xf32>, vector<16xf32>, vector<16xf32>, vector<16xf32>)  : i32 {
        %mul3A_128 = arith.constant 64 : i32
        %mul3A_129 = arith.muli %scan3A_119, %mul3A_128 : i32
        %multiple_of3A_130 = tpu.assume_multiple %mul3A_129, 64 : i32
        %add3A_131 = arith.constant 0 : i32
        %add3A_132 = arith.addi %multiple_of3A_130, %add3A_131 : i32
        %get3A = arith.index_cast %add3A_132 : i32 to index
        %get3A_133 = tpu.vector_load %arg6[%get3A] {strides = array<i32>} : memref<16384xf32, #tpu.memory_space<vmem>>, vector<16xf32>,
        %get3A_134 = vector.shape_cast %get3A_133 : vector<16xf32> to vector<16xf32>
        %add3A_135 = arith.constant 0 : i32
        %add3A_136 = arith.addi %multiple_of3A_130, %add3A_135 : i32
        %get3A_137 = arith.index_cast %add3A_136 : i32 to index
        %get3A_138 = tpu.vector_load %arg8[%get3A_137] {strides = array<i32>} : memref<16384xf32, #tpu.memory_space<vmem>>, vector<16xf32>,
        %get3A_139 = vector.shape_cast %get3A_138 : vector<16xf32> to vector<16xf32>
        %neg3A = arith.constant 0.000000e+00 : f32
        %neg3A_140 = vector.broadcast %neg3A : f32 to vector<16xf32>
        %neg3A_141 = arith.subf %neg3A_140, %get3A_134 : vector<16xf32>
        %exp3A = math.exp %neg3A_141 : vector<16xf32>
        %add3A_142 = arith.constant 1.000000e+00 : f32
        %add3A_143 = vector.broadcast %add3A_142 : f32 to vector<16xf32>
        %add3A_144 = arith.addf %add3A_143, %exp3A : vector<16xf32>
        %div3A_145 = arith.constant 1.000000e+00 : f32
        %div3A_146 = vector.broadcast %div3A_145 : f32 to vector<16xf32>
        %div3A_147 = arith.divf %div3A_146, %add3A_144 : vector<16xf32>
        %mul3A_148 = arith.mulf %div3A_147, %get3A_139 : vector<16xf32>
        %add3A_149 = arith.addf %scan3A_120, %mul3A_148 : vector<16xf32>
        %mul3A_150 = arith.mulf %div3A_147, %div3A_147 : vector<16xf32>
        %add3A_151 = arith.addf %mul3A_150, %get3A_139 : vector<16xf32>
        %add3A_152 = arith.addf %scan3A_121, %add3A_151 : vector<16xf32>
        %add3A_153 = arith.constant 16 : i32
        %add3A_154 = arith.addi %multiple_of3A_130, %add3A_153 : i32
        %get3A_155 = arith.index_cast %add3A_154 : i32 to index
        %get3A_156 = tpu.vector_load %arg6[%get3A_155] {strides = array<i32>} : memref<16384xf32, #tpu.memory_space<vmem>>, vector<16xf32>,
        %get3A_157 = vector.shape_cast %get3A_156 : vector<16xf32> to vector<16xf32>
        %add3A_158 = arith.constant 16 : i32
        %add3A_159 = arith.addi %multiple_of3A_130, %add3A_158 : i32
        %get3A_160 = arith.index_cast %add3A_159 : i32 to index
        %get3A_161 = tpu.vector_load %arg8[%get3A_160] {strides = array<i32>} : memref<16384xf32, #tpu.memory_space<vmem>>, vector<16xf32>,
        %get3A_162 = vector.shape_cast %get3A_161 : vector<16xf32> to vector<16xf32>
        %neg3A_163 = arith.constant 0.000000e+00 : f32
        %neg3A_164 = vector.broadcast %neg3A_163 : f32 to vector<16xf32>
        %neg3A_165 = arith.subf %neg3A_164, %get3A_157 : vector<16xf32>
        %exp3A_166 = math.exp %neg3A_165 : vector<16xf32>
        %add3A_167 = arith.constant 1.000000e+00 : f32
        %add3A_168 = vector.broadcast %add3A_167 : f32 to vector<16xf32>
        %add3A_169 = arith.addf %add3A_168, %exp3A_166 : vector<16xf32>
        %div3A_170 = arith.constant 1.000000e+00 : f32
        %div3A_171 = vector.broadcast %div3A_170 : f32 to vector<16xf32>
        %div3A_172 = arith.divf %div3A_171, %add3A_169 : vector<16xf32>
        %mul3A_173 = arith.mulf %div3A_172, %get3A_162 : vector<16xf32>
        %add3A_174 = arith.addf %scan3A_122, %mul3A_173 : vector<16xf32>
        %mul3A_175 = arith.mulf %div3A_172, %div3A_172 : vector<16xf32>
        %add3A_176 = arith.addf %mul3A_175, %get3A_162 : vector<16xf32>
        %add3A_177 = arith.addf %scan3A_123, %add3A_176 : vector<16xf32>
        %add3A_178 = arith.constant 32 : i32
        %add3A_179 = arith.addi %multiple_of3A_130, %add3A_178 : i32
        %get3A_180 = arith.index_cast %add3A_179 : i32 to index
        %get3A_181 = tpu.vector_load %arg6[%get3A_180] {strides = array<i32>} : memref<16384xf32, #tpu.memory_space<vmem>>, vector<16xf32>,
        %get3A_182 = vector.shape_cast %get3A_181 : vector<16xf32> to vector<16xf32>
        %add3A_183 = arith.constant 32 : i32
        %add3A_184 = arith.addi %multiple_of3A_130, %add3A_183 : i32
        %get3A_185 = arith.index_cast %add3A_184 : i32 to index
        %get3A_186 = tpu.vector_load %arg8[%get3A_185] {strides = array<i32>} : memref<16384xf32, #tpu.memory_space<vmem>>, vector<16xf32>,
        %get3A_187 = vector.shape_cast %get3A_186 : vector<16xf32> to vector<16xf32>
        %neg3A_188 = arith.constant 0.000000e+00 : f32
        %neg3A_189 = vector.broadcast %neg3A_188 : f32 to vector<16xf32>
        %neg3A_190 = arith.subf %neg3A_189, %get3A_182 : vector<16xf32>
        %exp3A_191 = math.exp %neg3A_190 : vector<16xf32>
        %add3A_192 = arith.constant 1.000000e+00 : f32
        %add3A_193 = vector.broadcast %add3A_192 : f32 to vector<16xf32>
        %add3A_194 = arith.addf %add3A_193, %exp3A_191 : vector<16xf32>
        %div3A_195 = arith.constant 1.000000e+00 : f32
        %div3A_196 = vector.broadcast %div3A_195 : f32 to vector<16xf32>
        %div3A_197 = arith.divf %div3A_196, %add3A_194 : vector<16xf32>
        %mul3A_198 = arith.mulf %div3A_197, %get3A_187 : vector<16xf32>
        %add3A_199 = arith.addf %scan3A_124, %mul3A_198 : vector<16xf32>
        %mul3A_200 = arith.mulf %div3A_197, %div3A_197 : vector<16xf32>
        %add3A_201 = arith.addf %mul3A_200, %get3A_187 : vector<16xf32>
        %add3A_202 = arith.addf %scan3A_125, %add3A_201 : vector<16xf32>
        %add3A_203 = arith.constant 48 : i32
        %add3A_204 = arith.addi %multiple_of3A_130, %add3A_203 : i32
        %get3A_205 = arith.index_cast %add3A_204 : i32 to index
        %get3A_206 = tpu.vector_load %arg6[%get3A_205] {strides = array<i32>} : memref<16384xf32, #tpu.memory_space<vmem>>, vector<16xf32>,
        %get3A_207 = vector.shape_cast %get3A_206 : vector<16xf32> to vector<16xf32>
        %add3A_208 = arith.constant 48 : i32
        %add3A_209 = arith.addi %multiple_of3A_130, %add3A_208 : i32
        %get3A_210 = arith.index_cast %add3A_209 : i32 to index
        %get3A_211 = tpu.vector_load %arg8[%get3A_210] {strides = array<i32>} : memref<16384xf32, #tpu.memory_space<vmem>>, vector<16xf32>,
        %get3A_212 = vector.shape_cast %get3A_211 : vector<16xf32> to vector<16xf32>
        %neg3A_213 = arith.constant 0.000000e+00 : f32
        %neg3A_214 = vector.broadcast %neg3A_213 : f32 to vector<16xf32>
        %neg3A_215 = arith.subf %neg3A_214, %get3A_207 : vector<16xf32>
        %exp3A_216 = math.exp %neg3A_215 : vector<16xf32>
        %add3A_217 = arith.constant 1.000000e+00 : f32
        %add3A_218 = vector.broadcast %add3A_217 : f32 to vector<16xf32>
        %add3A_219 = arith.addf %add3A_218, %exp3A_216 : vector<16xf32>
        %div3A_220 = arith.constant 1.000000e+00 : f32
        %div3A_221 = vector.broadcast %div3A_220 : f32 to vector<16xf32>
        %div3A_222 = arith.divf %div3A_221, %add3A_219 : vector<16xf32>
        %mul3A_223 = arith.mulf %div3A_222, %get3A_212 : vector<16xf32>
        %add3A_224 = arith.addf %scan3A_126, %mul3A_223 : vector<16xf32>
        %mul3A_225 = arith.mulf %div3A_222, %div3A_222 : vector<16xf32>
        %add3A_226 = arith.addf %mul3A_225, %get3A_212 : vector<16xf32>
        %add3A_227 = arith.addf %scan3A_127, %add3A_226 : vector<16xf32>
        %scan3A_228 = arith.constant 1 : i32
        %scan3A_229 = arith.addi %scan3A_119, %scan3A_228 : i32
        %mul3A_230 = arith.constant 64 : i32
        %mul3A_231 = arith.muli %scan3A_229, %mul3A_230 : i32
        %multiple_of3A_232 = tpu.assume_multiple %mul3A_231, 64 : i32
        %add3A_233 = arith.constant 0 : i32
        %add3A_234 = arith.addi %multiple_of3A_232, %add3A_233 : i32
        %get3A_235 = arith.index_cast %add3A_234 : i32 to index
        %get3A_236 = tpu.vector_load %arg6[%get3A_235] {strides = array<i32>} : memref<16384xf32, #tpu.memory_space<vmem>>, vector<16xf32>,
        %get3A_237 = vector.shape_cast %get3A_236 : vector<16xf32> to vector<16xf32>
        %add3A_238 = arith.constant 0 : i32
        %add3A_239 = arith.addi %multiple_of3A_232, %add3A_238 : i32
        %get3A_240 = arith.index_cast %add3A_239 : i32 to index
        %get3A_241 = tpu.vector_load %arg8[%get3A_240] {strides = array<i32>} : memref<16384xf32, #tpu.memory_space<vmem>>, vector<16xf32>,
        %get3A_242 = vector.shape_cast %get3A_241 : vector<16xf32> to vector<16xf32>
        %neg3A_243 = arith.constant 0.000000e+00 : f32
        %neg3A_244 = vector.broadcast %neg3A_243 : f32 to vector<16xf32>
        %neg3A_245 = arith.subf %neg3A_244, %get3A_237 : vector<16xf32>
        %exp3A_246 = math.exp %neg3A_245 : vector<16xf32>
        %add3A_247 = arith.constant 1.000000e+00 : f32
        %add3A_248 = vector.broadcast %add3A_247 : f32 to vector<16xf32>
        %add3A_249 = arith.addf %add3A_248, %exp3A_246 : vector<16xf32>
        %div3A_250 = arith.constant 1.000000e+00 : f32
        %div3A_251 = vector.broadcast %div3A_250 : f32 to vector<16xf32>
        %div3A_252 = arith.divf %div3A_251, %add3A_249 : vector<16xf32>
        %mul3A_253 = arith.mulf %div3A_252, %get3A_242 : vector<16xf32>
        %add3A_254 = arith.addf %add3A_149, %mul3A_253 : vector<16xf32>
        %mul3A_255 = arith.mulf %div3A_252, %div3A_252 : vector<16xf32>
        %add3A_256 = arith.addf %mul3A_255, %get3A_242 : vector<16xf32>
        %add3A_257 = arith.addf %add3A_152, %add3A_256 : vector<16xf32>
        %add3A_258 = arith.constant 16 : i32
        %add3A_259 = arith.addi %multiple_of3A_232, %add3A_258 : i32
        %get3A_260 = arith.index_cast %add3A_259 : i32 to index
        %get3A_261 = tpu.vector_load %arg6[%get3A_260] {strides = array<i32>} : memref<16384xf32, #tpu.memory_space<vmem>>, vector<16xf32>,
        %get3A_262 = vector.shape_cast %get3A_261 : vector<16xf32> to vector<16xf32>
        %add3A_263 = arith.constant 16 : i32
        %add3A_264 = arith.addi %multiple_of3A_232, %add3A_263 : i32
        %get3A_265 = arith.index_cast %add3A_264 : i32 to index
        %get3A_266 = tpu.vector_load %arg8[%get3A_265] {strides = array<i32>} : memref<16384xf32, #tpu.memory_space<vmem>>, vector<16xf32>,
        %get3A_267 = vector.shape_cast %get3A_266 : vector<16xf32> to vector<16xf32>
        %neg3A_268 = arith.constant 0.000000e+00 : f32
        %neg3A_269 = vector.broadcast %neg3A_268 : f32 to vector<16xf32>
        %neg3A_270 = arith.subf %neg3A_269, %get3A_262 : vector<16xf32>
        %exp3A_271 = math.exp %neg3A_270 : vector<16xf32>
        %add3A_272 = arith.constant 1.000000e+00 : f32
        %add3A_273 = vector.broadcast %add3A_272 : f32 to vector<16xf32>
        %add3A_274 = arith.addf %add3A_273, %exp3A_271 : vector<16xf32>
        %div3A_275 = arith.constant 1.000000e+00 : f32
        %div3A_276 = vector.broadcast %div3A_275 : f32 to vector<16xf32>
        %div3A_277 = arith.divf %div3A_276, %add3A_274 : vector<16xf32>
        %mul3A_278 = arith.mulf %div3A_277, %get3A_267 : vector<16xf32>
        %add3A_279 = arith.addf %add3A_174, %mul3A_278 : vector<16xf32>
        %mul3A_280 = arith.mulf %div3A_277, %div3A_277 : vector<16xf32>
        %add3A_281 = arith.addf %mul3A_280, %get3A_267 : vector<16xf32>
        %add3A_282 = arith.addf %add3A_177, %add3A_281 : vector<16xf32>
        %add3A_283 = arith.constant 32 : i32
        %add3A_284 = arith.addi %multiple_of3A_232, %add3A_283 : i32
        %get3A_285 = arith.index_cast %add3A_284 : i32 to index
        %get3A_286 = tpu.vector_load %arg6[%get3A_285] {strides = array<i32>} : memref<16384xf32, #tpu.memory_space<vmem>>, vector<16xf32>,
        %get3A_287 = vector.shape_cast %get3A_286 : vector<16xf32> to vector<16xf32>
        %add3A_288 = arith.constant 32 : i32
        %add3A_289 = arith.addi %multiple_of3A_232, %add3A_288 : i32
        %get3A_290 = arith.index_cast %add3A_289 : i32 to index
        %get3A_291 = tpu.vector_load %arg8[%get3A_290] {strides = array<i32>} : memref<16384xf32, #tpu.memory_space<vmem>>, vector<16xf32>,
        %get3A_292 = vector.shape_cast %get3A_291 : vector<16xf32> to vector<16xf32>
        %neg3A_293 = arith.constant 0.000000e+00 : f32
        %neg3A_294 = vector.broadcast %neg3A_293 : f32 to vector<16xf32>
        %neg3A_295 = arith.subf %neg3A_294, %get3A_287 : vector<16xf32>
        %exp3A_296 = math.exp %neg3A_295 : vector<16xf32>
        %add3A_297 = arith.constant 1.000000e+00 : f32
        %add3A_298 = vector.broadcast %add3A_297 : f32 to vector<16xf32>
        %add3A_299 = arith.addf %add3A_298, %exp3A_296 : vector<16xf32>
        %div3A_300 = arith.constant 1.000000e+00 : f32
        %div3A_301 = vector.broadcast %div3A_300 : f32 to vector<16xf32>
        %div3A_302 = arith.divf %div3A_301, %add3A_299 : vector<16xf32>
        %mul3A_303 = arith.mulf %div3A_302, %get3A_292 : vector<16xf32>
        %add3A_304 = arith.addf %add3A_199, %mul3A_303 : vector<16xf32>
        %mul3A_305 = arith.mulf %div3A_302, %div3A_302 : vector<16xf32>
        %add3A_306 = arith.addf %mul3A_305, %get3A_292 : vector<16xf32>
        %add3A_307 = arith.addf %add3A_202, %add3A_306 : vector<16xf32>
        %add3A_308 = arith.constant 48 : i32
        %add3A_309 = arith.addi %multiple_of3A_232, %add3A_308 : i32
        %get3A_310 = arith.index_cast %add3A_309 : i32 to index
        %get3A_311 = tpu.vector_load %arg6[%get3A_310] {strides = array<i32>} : memref<16384xf32, #tpu.memory_space<vmem>>, vector<16xf32>,
        %get3A_312 = vector.shape_cast %get3A_311 : vector<16xf32> to vector<16xf32>
        %add3A_313 = arith.constant 48 : i32
        %add3A_314 = arith.addi %multiple_of3A_232, %add3A_313 : i32
        %get3A_315 = arith.index_cast %add3A_314 : i32 to index
        %get3A_316 = tpu.vector_load %arg8[%get3A_315] {strides = array<i32>} : memref<16384xf32, #tpu.memory_space<vmem>>, vector<16xf32>,
        %get3A_317 = vector.shape_cast %get3A_316 : vector<16xf32> to vector<16xf32>
        %neg3A_318 = arith.constant 0.000000e+00 : f32
        %neg3A_319 = vector.broadcast %neg3A_318 : f32 to vector<16xf32>
        %neg3A_320 = arith.subf %neg3A_319, %get3A_312 : vector<16xf32>
        %exp3A_321 = math.exp %neg3A_320 : vector<16xf32>
        %add3A_322 = arith.constant 1.000000e+00 : f32
        %add3A_323 = vector.broadcast %add3A_322 : f32 to vector<16xf32>
        %add3A_324 = arith.addf %add3A_323, %exp3A_321 : vector<16xf32>
        %div3A_325 = arith.constant 1.000000e+00 : f32
        %div3A_326 = vector.broadcast %div3A_325 : f32 to vector<16xf32>
        %div3A_327 = arith.divf %div3A_326, %add3A_324 : vector<16xf32>
        %mul3A_328 = arith.mulf %div3A_327, %get3A_317 : vector<16xf32>
        %add3A_329 = arith.addf %add3A_224, %mul3A_328 : vector<16xf32>
        %mul3A_330 = arith.mulf %div3A_327, %div3A_327 : vector<16xf32>
        %add3A_331 = arith.addf %mul3A_330, %get3A_317 : vector<16xf32>
        %add3A_332 = arith.addf %add3A_227, %add3A_331 : vector<16xf32>
        %scan3A_333 = arith.constant 2 : i32
        %scan3A_334 = arith.addi %scan3A_119, %scan3A_333 : i32
        %mul3A_335 = arith.constant 64 : i32
        %mul3A_336 = arith.muli %scan3A_334, %mul3A_335 : i32
        %multiple_of3A_337 = tpu.assume_multiple %mul3A_336, 64 : i32
        %add3A_338 = arith.constant 0 : i32
        %add3A_339 = arith.addi %multiple_of3A_337, %add3A_338 : i32
        %get3A_340 = arith.index_cast %add3A_339 : i32 to index
        %get3A_341 = tpu.vector_load %arg6[%get3A_340] {strides = array<i32>} : memref<16384xf32, #tpu.memory_space<vmem>>, vector<16xf32>,
        %get3A_342 = vector.shape_cast %get3A_341 : vector<16xf32> to vector<16xf32>
        %add3A_343 = arith.constant 0 : i32
        %add3A_344 = arith.addi %multiple_of3A_337, %add3A_343 : i32
        %get3A_345 = arith.index_cast %add3A_344 : i32 to index
        %get3A_346 = tpu.vector_load %arg8[%get3A_345] {strides = array<i32>} : memref<16384xf32, #tpu.memory_space<vmem>>, vector<16xf32>,
        %get3A_347 = vector.shape_cast %get3A_346 : vector<16xf32> to vector<16xf32>
        %neg3A_348 = arith.constant 0.000000e+00 : f32
        %neg3A_349 = vector.broadcast %neg3A_348 : f32 to vector<16xf32>
        %neg3A_350 = arith.subf %neg3A_349, %get3A_342 : vector<16xf32>
        %exp3A_351 = math.exp %neg3A_350 : vector<16xf32>
        %add3A_352 = arith.constant 1.000000e+00 : f32
        %add3A_353 = vector.broadcast %add3A_352 : f32 to vector<16xf32>
        %add3A_354 = arith.addf %add3A_353, %exp3A_351 : vector<16xf32>
        %div3A_355 = arith.constant 1.000000e+00 : f32
        %div3A_356 = vector.broadcast %div3A_355 : f32 to vector<16xf32>
        %div3A_357 = arith.divf %div3A_356, %add3A_354 : vector<16xf32>
        %mul3A_358 = arith.mulf %div3A_357, %get3A_347 : vector<16xf32>
        %add3A_359 = arith.addf %add3A_254, %mul3A_358 : vector<16xf32>
        %mul3A_360 = arith.mulf %div3A_357, %div3A_357 : vector<16xf32>
        %add3A_361 = arith.addf %mul3A_360, %get3A_347 : vector<16xf32>
        %add3A_362 = arith.addf %add3A_257, %add3A_361 : vector<16xf32>
        %add3A_363 = arith.constant 16 : i32
        %add3A_364 = arith.addi %multiple_of3A_337, %add3A_363 : i32
        %get3A_365 = arith.index_cast %add3A_364 : i32 to index
        %get3A_366 = tpu.vector_load %arg6[%get3A_365] {strides = array<i32>} : memref<16384xf32, #tpu.memory_space<vmem>>, vector<16xf32>,
        %get3A_367 = vector.shape_cast %get3A_366 : vector<16xf32> to vector<16xf32>
        %add3A_368 = arith.constant 16 : i32
        %add3A_369 = arith.addi %multiple_of3A_337, %add3A_368 : i32
        %get3A_370 = arith.index_cast %add3A_369 : i32 to index
        %get3A_371 = tpu.vector_load %arg8[%get3A_370] {strides = array<i32>} : memref<16384xf32, #tpu.memory_space<vmem>>, vector<16xf32>,
        %get3A_372 = vector.shape_cast %get3A_371 : vector<16xf32> to vector<16xf32>
        %neg3A_373 = arith.constant 0.000000e+00 : f32
        %neg3A_374 = vector.broadcast %neg3A_373 : f32 to vector<16xf32>
        %neg3A_375 = arith.subf %neg3A_374, %get3A_367 : vector<16xf32>
        %exp3A_376 = math.exp %neg3A_375 : vector<16xf32>
        %add3A_377 = arith.constant 1.000000e+00 : f32
        %add3A_378 = vector.broadcast %add3A_377 : f32 to vector<16xf32>
        %add3A_379 = arith.addf %add3A_378, %exp3A_376 : vector<16xf32>
        %div3A_380 = arith.constant 1.000000e+00 : f32
        %div3A_381 = vector.broadcast %div3A_380 : f32 to vector<16xf32>
        %div3A_382 = arith.divf %div3A_381, %add3A_379 : vector<16xf32>
        %mul3A_383 = arith.mulf %div3A_382, %get3A_372 : vector<16xf32>
        %add3A_384 = arith.addf %add3A_279, %mul3A_383 : vector<16xf32>
        %mul3A_385 = arith.mulf %div3A_382, %div3A_382 : vector<16xf32>
        %add3A_386 = arith.addf %mul3A_385, %get3A_372 : vector<16xf32>
        %add3A_387 = arith.addf %add3A_282, %add3A_386 : vector<16xf32>
        %add3A_388 = arith.constant 32 : i32
        %add3A_389 = arith.addi %multiple_of3A_337, %add3A_388 : i32
        %get3A_390 = arith.index_cast %add3A_389 : i32 to index
        %get3A_391 = tpu.vector_load %arg6[%get3A_390] {strides = array<i32>} : memref<16384xf32, #tpu.memory_space<vmem>>, vector<16xf32>,
        %get3A_392 = vector.shape_cast %get3A_391 : vector<16xf32> to vector<16xf32>
        %add3A_393 = arith.constant 32 : i32
        %add3A_394 = arith.addi %multiple_of3A_337, %add3A_393 : i32
        %get3A_395 = arith.index_cast %add3A_394 : i32 to index
        %get3A_396 = tpu.vector_load %arg8[%get3A_395] {strides = array<i32>} : memref<16384xf32, #tpu.memory_space<vmem>>, vector<16xf32>,
        %get3A_397 = vector.shape_cast %get3A_396 : vector<16xf32> to vector<16xf32>
        %neg3A_398 = arith.constant 0.000000e+00 : f32
        %neg3A_399 = vector.broadcast %neg3A_398 : f32 to vector<16xf32>
        %neg3A_400 = arith.subf %neg3A_399, %get3A_392 : vector<16xf32>
        %exp3A_401 = math.exp %neg3A_400 : vector<16xf32>
        %add3A_402 = arith.constant 1.000000e+00 : f32
        %add3A_403 = vector.broadcast %add3A_402 : f32 to vector<16xf32>
        %add3A_404 = arith.addf %add3A_403, %exp3A_401 : vector<16xf32>
        %div3A_405 = arith.constant 1.000000e+00 : f32
        %div3A_406 = vector.broadcast %div3A_405 : f32 to vector<16xf32>
        %div3A_407 = arith.divf %div3A_406, %add3A_404 : vector<16xf32>
        %mul3A_408 = arith.mulf %div3A_407, %get3A_397 : vector<16xf32>
        %add3A_409 = arith.addf %add3A_304, %mul3A_408 : vector<16xf32>
        %mul3A_410 = arith.mulf %div3A_407, %div3A_407 : vector<16xf32>
        %add3A_411 = arith.addf %mul3A_410, %get3A_397 : vector<16xf32>
        %add3A_412 = arith.addf %add3A_307, %add3A_411 : vector<16xf32>
        %add3A_413 = arith.constant 48 : i32
        %add3A_414 = arith.addi %multiple_of3A_337, %add3A_413 : i32
        %get3A_415 = arith.index_cast %add3A_414 : i32 to index
        %get3A_416 = tpu.vector_load %arg6[%get3A_415] {strides = array<i32>} : memref<16384xf32, #tpu.memory_space<vmem>>, vector<16xf32>,
        %get3A_417 = vector.shape_cast %get3A_416 : vector<16xf32> to vector<16xf32>
        %add3A_418 = arith.constant 48 : i32
        %add3A_419 = arith.addi %multiple_of3A_337, %add3A_418 : i32
        %get3A_420 = arith.index_cast %add3A_419 : i32 to index
        %get3A_421 = tpu.vector_load %arg8[%get3A_420] {strides = array<i32>} : memref<16384xf32, #tpu.memory_space<vmem>>, vector<16xf32>,
        %get3A_422 = vector.shape_cast %get3A_421 : vector<16xf32> to vector<16xf32>
        %neg3A_423 = arith.constant 0.000000e+00 : f32
        %neg3A_424 = vector.broadcast %neg3A_423 : f32 to vector<16xf32>
        %neg3A_425 = arith.subf %neg3A_424, %get3A_417 : vector<16xf32>
        %exp3A_426 = math.exp %neg3A_425 : vector<16xf32>
        %add3A_427 = arith.constant 1.000000e+00 : f32
        %add3A_428 = vector.broadcast %add3A_427 : f32 to vector<16xf32>
        %add3A_429 = arith.addf %add3A_428, %exp3A_426 : vector<16xf32>
        %div3A_430 = arith.constant 1.000000e+00 : f32
        %div3A_431 = vector.broadcast %div3A_430 : f32 to vector<16xf32>
        %div3A_432 = arith.divf %div3A_431, %add3A_429 : vector<16xf32>
        %mul3A_433 = arith.mulf %div3A_432, %get3A_422 : vector<16xf32>
        %add3A_434 = arith.addf %add3A_329, %mul3A_433 : vector<16xf32>
        %mul3A_435 = arith.mulf %div3A_432, %div3A_432 : vector<16xf32>
        %add3A_436 = arith.addf %mul3A_435, %get3A_422 : vector<16xf32>
        %add3A_437 = arith.addf %add3A_332, %add3A_436 : vector<16xf32>
        %scan3A_438 = arith.constant 3 : i32
        %scan3A_439 = arith.addi %scan3A_119, %scan3A_438 : i32
        %mul3A_440 = arith.constant 64 : i32
        %mul3A_441 = arith.muli %scan3A_439, %mul3A_440 : i32
        %multiple_of3A_442 = tpu.assume_multiple %mul3A_441, 64 : i32
        %add3A_443 = arith.constant 0 : i32
        %add3A_444 = arith.addi %multiple_of3A_442, %add3A_443 : i32
        %get3A_445 = arith.index_cast %add3A_444 : i32 to index
        %get3A_446 = tpu.vector_load %arg6[%get3A_445] {strides = array<i32>} : memref<16384xf32, #tpu.memory_space<vmem>>, vector<16xf32>,
        %get3A_447 = vector.shape_cast %get3A_446 : vector<16xf32> to vector<16xf32>
        %add3A_448 = arith.constant 0 : i32
        %add3A_449 = arith.addi %multiple_of3A_442, %add3A_448 : i32
        %get3A_450 = arith.index_cast %add3A_449 : i32 to index
        %get3A_451 = tpu.vector_load %arg8[%get3A_450] {strides = array<i32>} : memref<16384xf32, #tpu.memory_space<vmem>>, vector<16xf32>,
        %get3A_452 = vector.shape_cast %get3A_451 : vector<16xf32> to vector<16xf32>
        %neg3A_453 = arith.constant 0.000000e+00 : f32
        %neg3A_454 = vector.broadcast %neg3A_453 : f32 to vector<16xf32>
        %neg3A_455 = arith.subf %neg3A_454, %get3A_447 : vector<16xf32>
        %exp3A_456 = math.exp %neg3A_455 : vector<16xf32>
        %add3A_457 = arith.constant 1.000000e+00 : f32
        %add3A_458 = vector.broadcast %add3A_457 : f32 to vector<16xf32>
        %add3A_459 = arith.addf %add3A_458, %exp3A_456 : vector<16xf32>
        %div3A_460 = arith.constant 1.000000e+00 : f32
        %div3A_461 = vector.broadcast %div3A_460 : f32 to vector<16xf32>
        %div3A_462 = arith.divf %div3A_461, %add3A_459 : vector<16xf32>
        %mul3A_463 = arith.mulf %div3A_462, %get3A_452 : vector<16xf32>
        %add3A_464 = arith.addf %add3A_359, %mul3A_463 : vector<16xf32>
        %mul3A_465 = arith.mulf %div3A_462, %div3A_462 : vector<16xf32>
        %add3A_466 = arith.addf %mul3A_465, %get3A_452 : vector<16xf32>
        %add3A_467 = arith.addf %add3A_362, %add3A_466 : vector<16xf32>
        %add3A_468 = arith.constant 16 : i32
        %add3A_469 = arith.addi %multiple_of3A_442, %add3A_468 : i32
        %get3A_470 = arith.index_cast %add3A_469 : i32 to index
        %get3A_471 = tpu.vector_load %arg6[%get3A_470] {strides = array<i32>} : memref<16384xf32, #tpu.memory_space<vmem>>, vector<16xf32>,
        %get3A_472 = vector.shape_cast %get3A_471 : vector<16xf32> to vector<16xf32>
        %add3A_473 = arith.constant 16 : i32
        %add3A_474 = arith.addi %multiple_of3A_442, %add3A_473 : i32
        %get3A_475 = arith.index_cast %add3A_474 : i32 to index
        %get3A_476 = tpu.vector_load %arg8[%get3A_475] {strides = array<i32>} : memref<16384xf32, #tpu.memory_space<vmem>>, vector<16xf32>,
        %get3A_477 = vector.shape_cast %get3A_476 : vector<16xf32> to vector<16xf32>
        %neg3A_478 = arith.constant 0.000000e+00 : f32
        %neg3A_479 = vector.broadcast %neg3A_478 : f32 to vector<16xf32>
        %neg3A_480 = arith.subf %neg3A_479, %get3A_472 : vector<16xf32>
        %exp3A_481 = math.exp %neg3A_480 : vector<16xf32>
        %add3A_482 = arith.constant 1.000000e+00 : f32
        %add3A_483 = vector.broadcast %add3A_482 : f32 to vector<16xf32>
        %add3A_484 = arith.addf %add3A_483, %exp3A_481 : vector<16xf32>
        %div3A_485 = arith.constant 1.000000e+00 : f32
        %div3A_486 = vector.broadcast %div3A_485 : f32 to vector<16xf32>
        %div3A_487 = arith.divf %div3A_486, %add3A_484 : vector<16xf32>
        %mul3A_488 = arith.mulf %div3A_487, %get3A_477 : vector<16xf32>
        %add3A_489 = arith.addf %add3A_384, %mul3A_488 : vector<16xf32>
        %mul3A_490 = arith.mulf %div3A_487, %div3A_487 : vector<16xf32>
        %add3A_491 = arith.addf %mul3A_490, %get3A_477 : vector<16xf32>
        %add3A_492 = arith.addf %add3A_387, %add3A_491 : vector<16xf32>
        %add3A_493 = arith.constant 32 : i32
        %add3A_494 = arith.addi %multiple_of3A_442, %add3A_493 : i32
        %get3A_495 = arith.index_cast %add3A_494 : i32 to index
        %get3A_496 = tpu.vector_load %arg6[%get3A_495] {strides = array<i32>} : memref<16384xf32, #tpu.memory_space<vmem>>, vector<16xf32>,
        %get3A_497 = vector.shape_cast %get3A_496 : vector<16xf32> to vector<16xf32>
        %add3A_498 = arith.constant 32 : i32
        %add3A_499 = arith.addi %multiple_of3A_442, %add3A_498 : i32
        %get3A_500 = arith.index_cast %add3A_499 : i32 to index
        %get3A_501 = tpu.vector_load %arg8[%get3A_500] {strides = array<i32>} : memref<16384xf32, #tpu.memory_space<vmem>>, vector<16xf32>,
        %get3A_502 = vector.shape_cast %get3A_501 : vector<16xf32> to vector<16xf32>
        %neg3A_503 = arith.constant 0.000000e+00 : f32
        %neg3A_504 = vector.broadcast %neg3A_503 : f32 to vector<16xf32>
        %neg3A_505 = arith.subf %neg3A_504, %get3A_497 : vector<16xf32>
        %exp3A_506 = math.exp %neg3A_505 : vector<16xf32>
        %add3A_507 = arith.constant 1.000000e+00 : f32
        %add3A_508 = vector.broadcast %add3A_507 : f32 to vector<16xf32>
        %add3A_509 = arith.addf %add3A_508, %exp3A_506 : vector<16xf32>
        %div3A_510 = arith.constant 1.000000e+00 : f32
        %div3A_511 = vector.broadcast %div3A_510 : f32 to vector<16xf32>
        %div3A_512 = arith.divf %div3A_511, %add3A_509 : vector<16xf32>
        %mul3A_513 = arith.mulf %div3A_512, %get3A_502 : vector<16xf32>
        %add3A_514 = arith.addf %add3A_409, %mul3A_513 : vector<16xf32>
        %mul3A_515 = arith.mulf %div3A_512, %div3A_512 : vector<16xf32>
        %add3A_516 = arith.addf %mul3A_515, %get3A_502 : vector<16xf32>
        %add3A_517 = arith.addf %add3A_412, %add3A_516 : vector<16xf32>
        %add3A_518 = arith.constant 48 : i32
        %add3A_519 = arith.addi %multiple_of3A_442, %add3A_518 : i32
        %get3A_520 = arith.index_cast %add3A_519 : i32 to index
        %get3A_521 = tpu.vector_load %arg6[%get3A_520] {strides = array<i32>} : memref<16384xf32, #tpu.memory_space<vmem>>, vector<16xf32>,
        %get3A_522 = vector.shape_cast %get3A_521 : vector<16xf32> to vector<16xf32>
        %add3A_523 = arith.constant 48 : i32
        %add3A_524 = arith.addi %multiple_of3A_442, %add3A_523 : i32
        %get3A_525 = arith.index_cast %add3A_524 : i32 to index
        %get3A_526 = tpu.vector_load %arg8[%get3A_525] {strides = array<i32>} : memref<16384xf32, #tpu.memory_space<vmem>>, vector<16xf32>,
        %get3A_527 = vector.shape_cast %get3A_526 : vector<16xf32> to vector<16xf32>
        %neg3A_528 = arith.constant 0.000000e+00 : f32
        %neg3A_529 = vector.broadcast %neg3A_528 : f32 to vector<16xf32>
        %neg3A_530 = arith.subf %neg3A_529, %get3A_522 : vector<16xf32>
        %exp3A_531 = math.exp %neg3A_530 : vector<16xf32>
        %add3A_532 = arith.constant 1.000000e+00 : f32
        %add3A_533 = vector.broadcast %add3A_532 : f32 to vector<16xf32>
        %add3A_534 = arith.addf %add3A_533, %exp3A_531 : vector<16xf32>
        %div3A_535 = arith.constant 1.000000e+00 : f32
        %div3A_536 = vector.broadcast %div3A_535 : f32 to vector<16xf32>
        %div3A_537 = arith.divf %div3A_536, %add3A_534 : vector<16xf32>
        %mul3A_538 = arith.mulf %div3A_537, %get3A_527 : vector<16xf32>
        %add3A_539 = arith.addf %add3A_434, %mul3A_538 : vector<16xf32>
        %mul3A_540 = arith.mulf %div3A_537, %div3A_537 : vector<16xf32>
        %add3A_541 = arith.addf %mul3A_540, %get3A_527 : vector<16xf32>
        %add3A_542 = arith.addf %add3A_437, %add3A_541 : vector<16xf32>
        scf.yield %add3A_464, %add3A_467, %add3A_489, %add3A_492, %add3A_514, %add3A_517, %add3A_539, %add3A_542 : vector<16xf32>, vector<16xf32>, vector<16xf32>, vector<16xf32>, vector<16xf32>, vector<16xf32>, vector<16xf32>, vector<16xf32>
      }
      %scan3A_118 = arith.constant 256 : i32
      scf.yield %scan3A_117#0, %scan3A_117#1, %scan3A_117#2, %scan3A_117#3, %scan3A_117#4, %scan3A_117#5, %scan3A_117#6, %scan3A_117#7 : vector<16xf32>, vector<16xf32>, vector<16xf32>, vector<16xf32>, vector<16xf32>, vector<16xf32>, vector<16xf32>, vector<16xf32>
    }
    %scan3A_48 = arith.constant 4 : i32
    %add3A_49 = arith.addf %scan3A_47#0, %scan3A_47#2 : vector<16xf32>
    %add3A_50 = arith.addf %scan3A_47#4, %scan3A_47#6 : vector<16xf32>
    %add3A_51 = arith.addf %add3A_49, %add3A_50 : vector<16xf32>
    %add3A_52 = arith.addf %scan3A_47#1, %scan3A_47#3 : vector<16xf32>
    %add3A_53 = arith.addf %scan3A_47#5, %scan3A_47#7 : vector<16xf32>
    %add3A_54 = arith.addf %add3A_52, %add3A_53 : vector<16xf32>
    %swap3A = arith.constant 0 : i32
    %swap3A_55 = arith.index_cast %swap3A : i32 to index
    %swap3A_56 = arith.constant 0 : index
    %swap3A_57 = tpu.vector_load %arg9[%swap3A_55, %swap3A_56] {strides = array<i32>} : memref<2x16xf32, #tpu.memory_space<vmem>>, vector<1x16xf32>,
    %swap3A_58 = vector.shape_cast %swap3A_57 : vector<1x16xf32> to vector<16xf32>
    %swap3A_59 = vector.shape_cast %add3A_51 : vector<16xf32> to vector<1x16xf32>
    tpu.vector_store %arg9[%swap3A_55, %swap3A_56], %swap3A_59 {strides = array<i32>} : memref<2x16xf32, #tpu.memory_space<vmem>>, vector<1x16xf32>,
    %swap3A_60 = arith.constant 1 : i32
    %swap3A_61 = arith.index_cast %swap3A_60 : i32 to index
    %swap3A_62 = arith.constant 0 : index
    %swap3A_63 = tpu.vector_load %arg9[%swap3A_61, %swap3A_62] {strides = array<i32>} : memref<2x16xf32, #tpu.memory_space<vmem>>, vector<1x16xf32>,
    %swap3A_64 = vector.shape_cast %swap3A_63 : vector<1x16xf32> to vector<16xf32>
    %swap3A_65 = vector.shape_cast %add3A_54 : vector<16xf32> to vector<1x16xf32>
    tpu.vector_store %arg9[%swap3A_61, %swap3A_62], %swap3A_65 {strides = array<i32>} : memref<2x16xf32, #tpu.memory_space<vmem>>, vector<1x16xf32>,
    "tpu.region"() ({
      %run_scoped3A = tpu.sem_alloc : memref<!tpu.dma_semaphore, #tpu.memory_space<semaphore_mem>>
      %dma_start3A_66 = arith.constant 0 : i32
      %dma_start3A_67 = arith.constant 0 : i32
      %dma_start3A_68 = tpu.memref_slice %arg4[%add3A, %dma_start3A_66, %dma_start3A_67] : memref<32x2x16xf32, #tpu.memory_space<hbm>> -> memref<1x2x16xf32, #tpu.memory_space<hbm>>
      %dma_start3A_69 = tpu.memref_squeeze %dma_start3A_68 : memref<1x2x16xf32, #tpu.memory_space<hbm>> -> memref<2x16xf32, #tpu.memory_space<hbm>>
      %dma_start3A_70 = arith.constant 0 : i32
      %dma_start3A_71 = arith.constant 0 : i32
      %dma_start3A_72 = tpu.memref_slice %arg4[%add3A, %dma_start3A_70, %dma_start3A_71] : memref<32x2x16xf32, #tpu.memory_space<hbm>> -> memref<1x2x16xf32, #tpu.memory_space<hbm>>
      %dma_start3A_73 = tpu.memref_squeeze %dma_start3A_72 : memref<1x2x16xf32, #tpu.memory_space<hbm>> -> memref<2x16xf32, #tpu.memory_space<hbm>>
      tpu.enqueue_dma source(%arg9 : memref<2x16xf32, #tpu.memory_space<vmem>>) target(%dma_start3A_73 : memref<2x16xf32, #tpu.memory_space<hbm>>) target_semaphore(%run_scoped3A : memref<!tpu.dma_semaphore, #tpu.memory_space<semaphore_mem>>)
      %dma_wait3A = arith.constant 0 : i32
      %dma_wait3A_74 = arith.constant 0 : i32
      %dma_wait3A_75 = tpu.memref_slice %arg4[%add3A, %dma_wait3A, %dma_wait3A_74] : memref<32x2x16xf32, #tpu.memory_space<hbm>> -> memref<1x2x16xf32, #tpu.memory_space<hbm>>
      %dma_wait3A_76 = tpu.memref_squeeze %dma_wait3A_75 : memref<1x2x16xf32, #tpu.memory_space<hbm>> -> memref<2x16xf32, #tpu.memory_space<hbm>>
      %dma_wait3A_77 = arith.constant 0 : i32
      %dma_wait3A_78 = arith.constant 0 : i32
      %dma_wait3A_79 = tpu.memref_slice %arg4[%add3A, %dma_wait3A_77, %dma_wait3A_78] : memref<32x2x16xf32, #tpu.memory_space<hbm>> -> memref<1x2x16xf32, #tpu.memory_space<hbm>>
      %dma_wait3A_80 = tpu.memref_squeeze %dma_wait3A_79 : memref<1x2x16xf32, #tpu.memory_space<hbm>> -> memref<2x16xf32, #tpu.memory_space<hbm>>
      tpu.wait_dma2 semaphore(%run_scoped3A : memref<!tpu.dma_semaphore, #tpu.memory_space<semaphore_mem>>) src(%arg9 : memref<2x16xf32, #tpu.memory_space<vmem>>) dst(%dma_wait3A_80 : memref<2x16xf32, #tpu.memory_space<hbm>>)
      tpu.yield
    }) : () -> ()
    return
  }
}

module attributes {stable_mosaic.version = 14 : i64} {
  func.func @_tc_kernel(%arg0: i32, %arg1: i32, %arg2: i32, %arg3: memref<1x1x96x128x128xf32, #tpu.memory_space<vmem>>, %arg4: memref<1x1x96x128x128xf32, #tpu.memory_space<vmem>>, %arg5: memref<8x128xf32, #tpu.memory_space<vmem>>, %arg6: memref<8x128xf32, #tpu.memory_space<vmem>>) attributes {dimension_semantics = [#tpu.dimension_semantics<arbitrary>, #tpu.dimension_semantics<arbitrary>, #tpu.dimension_semantics<arbitrary>], iteration_bounds = array<i64: 2, 4, 1>, scalar_prefetch = 0 : i64, scratch_operands = 0 : i64, tpu.core_type = #tpu.core_type<tc>, window_params = [{transform_indices = @transform_0, window_bounds = array<i64: 1, 1, 96, 128, 128>}, {transform_indices = @transform_1, window_bounds = array<i64: 1, 1, 96, 128, 128>}, {pipeline_mode = #tpu.pipeline_mode<synchronous>, transform_indices = @transform_2, window_bounds = array<i64: 8, 128>}, {pipeline_mode = #tpu.pipeline_mode<synchronous>, transform_indices = @transform_3, window_bounds = array<i64: 8, 128>}]} {
    %mul3A = arith.constant 4 : i32
    %mul3A_0 = arith.muli %arg0, %mul3A : i32
    %add3A = arith.addi %mul3A_0, %arg1 : i32
    %eq3A = arith.constant 0 : i32
    %eq3A_1 = arith.cmpi eq, %add3A, %eq3A : i32
    %eq3A_2 = arith.constant 0 : i32
    %eq3A_3 = arith.cmpi eq, %arg2, %eq3A_2 : i32
    %and3A = arith.andi %eq3A_1, %eq3A_3 : i1
    %convert_element_type3A = arith.extui %and3A : i1 to i32
    %cond3A = arith.constant 0 : i32
    %cond3A_4 = arith.cmpi ne, %convert_element_type3A, %cond3A : i32
    scf.if %cond3A_4 {
      %broadcast_in_dim3A_55 = arith.constant 0.000000e+00 : f32
      %broadcast_in_dim3A_56 = vector.broadcast %broadcast_in_dim3A_55 : f32 to vector<8x128xf32>
      %swap3A_57 = arith.constant 0 : index
      %swap3A_58 = arith.constant 0 : index
      %swap3A_59 = vector.load %arg5[%swap3A_57, %swap3A_58] : memref<8x128xf32, #tpu.memory_space<vmem>>, vector<8x128xf32>
      tpu.vector_store %arg5[%swap3A_57, %swap3A_58], %broadcast_in_dim3A_56 {strides = array<i32>} : memref<8x128xf32, #tpu.memory_space<vmem>>, vector<8x128xf32>,
      %broadcast_in_dim3A_60 = arith.constant 0.000000e+00 : f32
      %broadcast_in_dim3A_61 = vector.broadcast %broadcast_in_dim3A_60 : f32 to vector<8x128xf32>
      %swap3A_62 = arith.constant 0 : index
      %swap3A_63 = arith.constant 0 : index
      %swap3A_64 = vector.load %arg6[%swap3A_62, %swap3A_63] : memref<8x128xf32, #tpu.memory_space<vmem>>, vector<8x128xf32>
      tpu.vector_store %arg6[%swap3A_62, %swap3A_63], %broadcast_in_dim3A_61 {strides = array<i32>} : memref<8x128xf32, #tpu.memory_space<vmem>>, vector<8x128xf32>,
    } else {
    }
    %get3A = arith.constant 0 : index
    %get3A_5 = arith.constant 0 : index
    %get3A_6 = arith.constant 0 : index
    %get3A_7 = arith.constant 0 : index
    %get3A_8 = arith.constant 0 : index
    %get3A_9 = vector.load %arg3[%get3A, %get3A_5, %get3A_6, %get3A_7, %get3A_8] : memref<1x1x96x128x128xf32, #tpu.memory_space<vmem>>, vector<1x1x96x128x128xf32>
    %get3A_10 = vector.shape_cast %get3A_9 : vector<1x1x96x128x128xf32> to vector<96x128x128xf32>
    %get3A_11 = arith.constant 0 : index
    %get3A_12 = arith.constant 0 : index
    %get3A_13 = arith.constant 0 : index
    %get3A_14 = arith.constant 0 : index
    %get3A_15 = arith.constant 0 : index
    %get3A_16 = vector.load %arg4[%get3A_11, %get3A_12, %get3A_13, %get3A_14, %get3A_15] : memref<1x1x96x128x128xf32, #tpu.memory_space<vmem>>, vector<1x1x96x128x128xf32>
    %get3A_17 = vector.shape_cast %get3A_16 : vector<1x1x96x128x128xf32> to vector<96x128x128xf32>
    %logistic3A = arith.negf %get3A_10 : vector<96x128x128xf32>
    %logistic3A_18 = math.exp %logistic3A : vector<96x128x128xf32>
    %logistic3A_19 = arith.constant 1.000000e+00 : f32
    %logistic3A_20 = vector.broadcast %logistic3A_19 : f32 to vector<96x128x128xf32>
    %logistic3A_21 = arith.addf %logistic3A_20, %logistic3A_18 : vector<96x128x128xf32>
    %logistic3A_22 = arith.divf %logistic3A_20, %logistic3A_21 : vector<96x128x128xf32>
    %mul3A_23 = arith.mulf %logistic3A_22, %get3A_17 : vector<96x128x128xf32>
    %reduce_sum3A = vector.shape_cast %mul3A_23 : vector<96x128x128xf32> to vector<1x96x128x128xf32>
    %reduce_sum3A_24 = arith.constant dense<0.000000e+00> : vector<1xf32>
    %reduce_sum3A_25 = vector.multi_reduction <add>, %reduce_sum3A, %reduce_sum3A_24 [1, 2, 3] : vector<1x96x128x128xf32> to vector<1xf32>
    %reduce_sum3A_26 = vector.shape_cast %reduce_sum3A_25 : vector<1xf32> to vector<1x1x1x1xf32>
    %reduce_sum3A_27 = vector.extract %reduce_sum3A_26[0, 0, 0, 0] : f32 from vector<1x1x1x1xf32>
    %mul3A_28 = arith.mulf %logistic3A_22, %logistic3A_22 : vector<96x128x128xf32>
    %add3A_29 = arith.addf %mul3A_28, %get3A_17 : vector<96x128x128xf32>
    %reduce_sum3A_30 = vector.shape_cast %add3A_29 : vector<96x128x128xf32> to vector<1x96x128x128xf32>
    %reduce_sum3A_31 = arith.constant dense<0.000000e+00> : vector<1xf32>
    %reduce_sum3A_32 = vector.multi_reduction <add>, %reduce_sum3A_30, %reduce_sum3A_31 [1, 2, 3] : vector<1x96x128x128xf32> to vector<1xf32>
    %reduce_sum3A_33 = vector.shape_cast %reduce_sum3A_32 : vector<1xf32> to vector<1x1x1x1xf32>
    %reduce_sum3A_34 = vector.extract %reduce_sum3A_33[0, 0, 0, 0] : f32 from vector<1x1x1x1xf32>
    %iota3A = tpu.iota {dimensions = array<i32: 0>} : vector<8x128xi32>
    %eq3A_35 = vector.broadcast %add3A : i32 to vector<8x128xi32>
    %eq3A_36 = arith.cmpi eq, %iota3A, %eq3A_35 : vector<8x128xi32>
    %get3A_37 = arith.constant 0 : index
    %get3A_38 = arith.constant 0 : index
    %get3A_39 = vector.load %arg5[%get3A_37, %get3A_38] : memref<8x128xf32, #tpu.memory_space<vmem>>, vector<8x128xf32>
    %jit3A = arith.constant 0.000000e+00 : f32
    %broadcast_in_dim3A = vector.broadcast %reduce_sum3A_27 : f32 to vector<8x128xf32>
    %broadcast_in_dim3A_40 = vector.broadcast %jit3A : f32 to vector<8x128xf32>
    %select_n3A = arith.select %eq3A_36, %broadcast_in_dim3A, %broadcast_in_dim3A_40 : vector<8x128xi1>, vector<8x128xf32>
    %add3A_41 = arith.addf %get3A_39, %select_n3A : vector<8x128xf32>
    %swap3A = arith.constant 0 : index
    %swap3A_42 = arith.constant 0 : index
    %swap3A_43 = vector.load %arg5[%swap3A, %swap3A_42] : memref<8x128xf32, #tpu.memory_space<vmem>>, vector<8x128xf32>
    tpu.vector_store %arg5[%swap3A, %swap3A_42], %add3A_41 {strides = array<i32>} : memref<8x128xf32, #tpu.memory_space<vmem>>, vector<8x128xf32>,
    %get3A_44 = arith.constant 0 : index
    %get3A_45 = arith.constant 0 : index
    %get3A_46 = vector.load %arg6[%get3A_44, %get3A_45] : memref<8x128xf32, #tpu.memory_space<vmem>>, vector<8x128xf32>
    %jit3A_47 = arith.constant 0.000000e+00 : f32
    %broadcast_in_dim3A_48 = vector.broadcast %reduce_sum3A_34 : f32 to vector<8x128xf32>
    %broadcast_in_dim3A_49 = vector.broadcast %jit3A_47 : f32 to vector<8x128xf32>
    %select_n3A_50 = arith.select %eq3A_36, %broadcast_in_dim3A_48, %broadcast_in_dim3A_49 : vector<8x128xi1>, vector<8x128xf32>
    %add3A_51 = arith.addf %get3A_46, %select_n3A_50 : vector<8x128xf32>
    %swap3A_52 = arith.constant 0 : index
    %swap3A_53 = arith.constant 0 : index
    %swap3A_54 = vector.load %arg6[%swap3A_52, %swap3A_53] : memref<8x128xf32, #tpu.memory_space<vmem>>, vector<8x128xf32>
    tpu.vector_store %arg6[%swap3A_52, %swap3A_53], %add3A_51 {strides = array<i32>} : memref<8x128xf32, #tpu.memory_space<vmem>>, vector<8x128xf32>,
    return
  }
  func.func @transform_0(%arg0: i32, %arg1: i32, %arg2: i32) -> (i32, i32, i32, i32, i32) {
    %c0_i32 = arith.constant 0 : i32
    %c0_i32_0 = arith.constant 0 : i32
    %c0_i32_1 = arith.constant 0 : i32
    return %arg0, %arg1, %arg2, %c0_i32, %c0_i32_0 : i32, i32, i32, i32, i32
  }
  func.func @transform_1(%arg0: i32, %arg1: i32, %arg2: i32) -> (i32, i32, i32, i32, i32) {
    %c0_i32 = arith.constant 0 : i32
    %c0_i32_0 = arith.constant 0 : i32
    %c0_i32_1 = arith.constant 0 : i32
    return %arg0, %arg1, %arg2, %c0_i32, %c0_i32_0 : i32, i32, i32, i32, i32
  }
  func.func @transform_2(%arg0: i32, %arg1: i32, %arg2: i32) -> (i32, i32) {
    %c0_i32 = arith.constant 0 : i32
    %c0_i32_0 = arith.constant 0 : i32
    %c0_i32_1 = arith.constant 0 : i32
    return %c0_i32, %c0_i32_0 : i32, i32
  }
  func.func @transform_3(%arg0: i32, %arg1: i32, %arg2: i32) -> (i32, i32) {
    %c0_i32 = arith.constant 0 : i32
    %c0_i32_0 = arith.constant 0 : i32
    %c0_i32_1 = arith.constant 0 : i32
    return %c0_i32, %c0_i32_0 : i32, i32
  }
}

</mosaic_0001>

<sc_bundles>
// kernel: kernel.4.cloned.1.call-start
scs
__scs_entry_jumppad:
0x0: {  	(pc) =	sbr.rel $0x88, $3  }
0x1: {  	(tag) =	ssettag $0x0;
	lr =	simm.s32 $0x1  }
0x2: {  	[smem:$0x3F9F] =	sst lr;
	_ =	strace $0xD0000000  }
0x3: {  	_ = 	snop  }
0x4: {  	_ = 	snop  }
0x5: {  	_ = 	snop  }
0x6: {  	_ = 	snop  }
0x7: {  	_ = 	snop  }
__scs_overlays_trampoline_lowered:
0x8: {  	[smem:$0x3FAE] =	sst s0  }
0x9: {  	[smem:$0x3FAF] =	sst s1  }
0xa: {  	[smem:$0x3FB0] =	sst s2  }
0xb: {  	[smem:$0x3FB1] =	sst s3  }
0xc: {  	[smem:$0x3FB2] =	sst s4  }
0xd: {  	[smem:$0x3FB3] =	sst s5  }
0xe: {  	[smem:$0x3FB4] =	sst s6  }
0xf: {  	[smem:$0x3FB5] =	sst s7  }
0x10: {  	[smem:$0x3FB6] =	sst s8  }
0x11: {  	[smem:$0x3FB7] =	sst s9;
	s0 =	simm.s32 @!p0 $0x0  }
0x12: {  	s1 =	sld [smem:$0x3F9D];
	s0 =	simm.s32 @p0 $0x1  }
0x13: {  	[smem:$0x3FB8] =	sst s0;
	s0 =	simm.s32 @!p1 $0x0  }
0x14: {  	s2 =	sld [smem:$0x3F9C];
	s0 =	simm.s32 @p1 $0x1  }
0x15: {  	[smem:$0x3FB9] =	sst s0;
	s0 =	simm.s32 @!p2 $0x0  }
0x16: {  	s3 =	sld [smem:$0x3FDB];
	s0 =	simm.s32 @p2 $0x1  }
0x17: {  	s4 =	simm.s32 $0x1BF5;
	[smem:$0x3FBB] =	sst s0  }
0x18: {  	s0 =	sld [smem:$0x3F9E];
	_ =	swait.ge [sflag:s4], $0x0  }
0x19: {  	s7 =	sld [smem:$0x3F9F]  }
0x1a: {  	s8 =	sadd.s32 $0xFFFFE003, lr  }
0x1b: {  	s9 =	sadd.s32 $0xFFFFFEF7, lr;
	s5 =	simm.s32 $0xFFFFFFFF;
	p2 =	slt.u32 s8, $0xFFFFF086  }
0x1c: {  	p1 =	slt.u32 s9, $0xF7A;
	s5 =	simm.s32 @!p2 $0x0  }
0x1d: {  	s5 =	simm.s32 @p1 $0x1;
	p0 =	seq.s32 s7, s2  }
0x1e: {  	s7 =	smul.u32 @!p0 $0xF7A, s2;
	p2 =	seq.s32 @!p0 s5, $0x0  }
0x1f: {  	s9 =	smul.u32 $0xF7A, s1;
	s8 =	simm.s32 @!p0 $0x1BF5;
	p2 =	por !p2, p0  }
0x20: {  	[sflag:s8] =	ssyncset.s32 @!p0 $0xFFFFF086;
	s6 =	sadd.s32 @!p0 s3, s7;
	s7 =	simm.s32 @!p0 $0x108  }
0x21: {  	s3 =	sadd.s32 s3, s9;
	s6 =	sadd.s32 @!p0 $0x88, s6;
	s7 =	simm.s32 @p2 $0x1082  }
0x22: {  	[simem:s7], [sflag:s8] =	dma.local @!p0 [hbm:s6], $0xF7A  }
0x23: {  	s9 =	sor.u32 $0xD0000000, s2;
	s6 =	simm.s32 $0x108;
	_ =	swait.ge @!p0 [sflag:s8], $0x0  }
0x24: {  	s3 =	sadd.s32 $0x88, s3;
	s6 =	simm.s32 @!p1 $0x1082;
	[sflag:s4] =	ssyncset.s32 $0xFFFFF086  }
0x25: {  	[simem:s6], [sflag:s4] =	dma.local [hbm:s3], $0xF7A  }
0x26: {  	[smem:$0x3F9F] =	sst s1;
	(tag) =	ssettag s2;
	_ =	strace s9  }
0x27: {  	s1 =	sld [smem:$0x3FAF]  }
0x28: {  	s2 =	sld [smem:$0x3FB0]  }
0x29: {  	s4 =	sld [smem:$0x3FB2]  }
0x2a: {  	p0 =	seq.s32 s5, $0x0;
	s5 =	sld [smem:$0x3FB3]  }
0x2b: {  	s6 =	sld [smem:$0x3FB4]  }
0x2c: {  	s7 =	sld [smem:$0x3FB5]  }
0x2d: {  	s3 =	simm.s32 $0x108;
	s8 =	sld [smem:$0x3FB6]  }
0x2e: {  	s3 =	simm.s32 @!p0 $0x1082;
	s9 =	sld [smem:$0x3FB7]  }
0x2f: {  	lr =	sadd.s32 s0, s3;
	s0 =	sld [smem:$0x3FAE]  }
0x30: {  	s3 =	sld [smem:$0x3FB1]  }
0x31: {  	[smem:$0x3FBA] =	sst s10  }
0x32: {  	s10 =	sld [smem:$0x3FB8];
	_ =	sdelay $0x3  }
0x33: {  	p0 =	seq.s32 s10, $0x1;
	s10 =	sld [smem:$0x3FBA];
	_ =	sdelay $0x3  }
0x34: {  	[smem:$0x3FBA] =	sst s10  }
0x35: {  	s10 =	sld [smem:$0x3FB9];
	_ =	sdelay $0x3  }
0x36: {  	p1 =	seq.s32 s10, $0x1;
	s10 =	sld [smem:$0x3FBA];
	_ =	sdelay $0x3  }
0x37: {  	[smem:$0x3FBA] =	sst s10  }
0x38: {  	s10 =	sld [smem:$0x3FBB]  }
0x39: {  	_ = 	snop;
	(pc) =	sbr.ind lr, $3  }
0x3a: {  	_ = 	snop  }
0x3b: {  	_ = 	snop  }
0x3c: {  	p2 =	seq.s32 s10, $0x1;
	s10 =	sld [smem:$0x3FBA]  }
0x3d: {  	_ =	shalt  }
0x3e: {  	_ =	shalt  }
0x3f: {  	_ =	shalt  }
0x40: {  	_ =	shalt  }
0x41: {  	_ =	shalt  }
0x42: {  	_ =	shalt  }
0x43: {  	_ =	shalt  }
0x44: {  	_ =	shalt  }
0x45: {  	_ =	shalt  }
0x46: {  	_ =	shalt  }
0x47: {  	_ =	shalt  }
0x48: {  	_ =	shalt  }
0x49: {  	_ =	shalt  }
0x4a: {  	_ =	shalt  }
0x4b: {  	_ =	shalt  }
0x4c: {  	_ =	shalt  }
0x4d: {  	_ =	shalt  }
0x4e: {  	_ =	shalt  }
0x4f: {  	_ =	shalt  }
0x50: {  	_ =	shalt  }
0x51: {  	_ =	shalt  }
0x52: {  	_ =	shalt  }
0x53: {  	_ =	shalt  }
0x54: {  	_ =	shalt  }
0x55: {  	_ =	shalt  }
0x56: {  	_ =	shalt  }
0x57: {  	_ =	shalt  }
0x58: {  	_ =	shalt  }
0x59: {  	_ =	shalt  }
0x5a: {  	_ =	shalt  }
0x5b: {  	_ =	shalt  }
0x5c: {  	_ =	shalt  }
0x5d: {  	_ =	shalt  }
0x5e: {  	_ =	shalt  }
0x5f: {  	_ =	shalt  }
0x60: {  	_ =	shalt  }
0x61: {  	_ =	shalt  }
0x62: {  	_ =	shalt  }
0x63: {  	_ =	shalt  }
0x64: {  	_ =	shalt  }
0x65: {  	_ =	shalt  }
0x66: {  	_ =	shalt  }
0x67: {  	_ =	shalt  }
0x68: {  	_ =	shalt  }
0x69: {  	_ =	shalt  }
0x6a: {  	_ =	shalt  }
0x6b: {  	_ =	shalt  }
0x6c: {  	_ =	shalt  }
0x6d: {  	_ =	shalt  }
0x6e: {  	_ =	shalt  }
0x6f: {  	_ =	shalt  }
0x70: {  	_ =	shalt  }
0x71: {  	_ =	shalt  }
0x72: {  	_ =	shalt  }
0x73: {  	_ =	shalt  }
0x74: {  	_ =	shalt  }
0x75: {  	_ =	shalt  }
0x76: {  	_ =	shalt  }
0x77: {  	_ =	shalt  }
0x78: {  	_ =	shalt  }
0x79: {  	_ =	shalt  }
0x7a: {  	_ =	shalt  }
0x7b: {  	_ =	shalt  }
0x7c: {  	_ =	shalt  }
0x7d: {  	_ =	shalt  }
0x7e: {  	_ =	shalt  }
0x7f: {  	_ =	shalt  }
0x80: {  	_ =	shalt  }
0x81: {  	_ =	shalt  }
0x82: {  	_ =	shalt  }
0x83: {  	_ =	shalt  }
0x84: {  	_ =	shalt  }
0x85: {  	_ =	shalt  }
0x86: {  	_ =	shalt  }
0x87: {  	_ =	shalt  }
.Lfunc_end0:
.L_simem_size_0:
called_computation_lowered:
.L_overlay_start_0:
0x88: {  	s2 =	sld [smem:$0x3FD9]  }
0x89: {  	s3 =	sld [smem:$0x3FFE];
	_ =	sdelay $0x1  }
0x8a: {  	s1 =	srdreg.scid  }
0x8b: {  	s0 =	sand.u32 $0x1, s1  }
0x8c: {  	s17 =	sshll.u32 s0, $0xA;
	s2 =	sadd.s32 s3, s2  }
0x8d: {  	s2 =	sadd.s32 s2, s17  }
0x8e: {  	[smem:$0x3FC6] =	sst s2  }
0x8f: {  	_ = 	snop  }
0x90: {  	s2 =	sld [smem:$0x3FC9]  }
0x91: {  	s18 =	sld [smem:$0x3FC8];
	(tm) =	ssettm $0x1  }
0x92: {  	s4 =	sld [smem:$0x3FFB];
	_ =	sdelay $0x3  }
0x93: {  	_ =	strace s4  }
0x94: {  	s4 =	sld [smem:$0x3FFC];
	_ =	sdelay $0x3  }
0x95: {  	_ =	strace s4  }
0x96: {  	s4 =	sld [smem:$0x3FFD];
	_ =	sdelay $0x3  }
0x97: {  	_ =	strace s4  }
0x98: {  	_ =	strace $0x8FFFFFFF  }
0x99: {  	s19 =	sld [smem:$0x3FDB];
	_ =	sdelay $0x1  }
0x9a: {  	s5 =	simm.s32 $_scs_section_size  }
0x9b: {  	s6 =	simm.s32 $_size__tile_overlayer_lowered;
	s7 =	simm.s32 $_tile_overlayer_lowered  }
0x9c: {  	s22 =	simm.s32 $0x1BFF;
	s21 =	sshll.u32 s7, $0x1;
	s4 =	sadd.s32 s5, s19  }
0x9d: {  	s8 =	simm.s32 $0x0;
	s20 =	sshll.u32 s6, $0x1;
	s6 =	sadd.s32 s21, s4  }
0x9e: {  	[timem:s8], [sflag:s22] =	dma.local [hbm:s6], s20  }
0x9f: {  	_ =	swait.ge [sflag:s22], s20  }
0xa0: {  	s5 =	ssub.s32 $0x0, s20;
	[sflag:s22] =	ssyncset.done $0x0  }
0xa1: {  	[sflag:s22] =	ssyncadd.s32 s5;
	_ =	sdelay $0x1  }
0xa2: {  	s23 =	simm.s32 $0x1B8B  }
0xa3: {  	_ =	swait.ge [sflag:s23], $0x1  }
0xa4: {  	[sflag:s23] =	ssyncset.done $0x0  }
0xa5: {  	s25 =	simm.s32 $0x1B8E;
	s24 =	sld [smem:$0x3FFE];
	[sflag:s23] =	ssyncadd.s32 $0xFFFFFFFF  }
0xa6: {  	s26 =	simm.s32 $execute0_lowered;
	[smem:$0x3FD2] =	sst s25  }
0xa7: {  	s6 =	sshll.u32 s26, $0x1;
	_ =	strace $0x80000046;
	[dreg:$0x1] =	wrdreg $0xFFFFFFFF  }
0xa8: {  	s28 =	simm.s32 $_size_execute0_lowered;
	s4 =	sadd.s32 s4, s6;
	[dreg:$0x0] =	wrdreg $0x0  }
0xa9: {  	s6 =	sshll.u32 s28, $0x1;
	[dreg:$0x2] =	wrdreg s4  }
0xaa: {  	[dreg:$0x3] =	wrdreg s6  }
0xab: {  	[dreg:$0x4] =	wrdreg $0xC0  }
0xac: {  	_ =	task [dreg:s8], $0x5FFFF  }
0xad: {  	[dreg:$0x1] =	wrdreg $0xFFFFFFFF  }
0xae: {  	[dreg:$0x0] =	wrdreg $0x60  }
0xaf: {  	[dreg:$0x2] =	wrdreg s2  }
0xb0: {  	[dreg:$0x3] =	wrdreg s18  }
0xb1: {  	[dreg:$0x4] =	wrdreg s24  }
0xb2: {  	[dreg:$0x5] =	wrdreg $0x9  }
0xb3: {  	_ =	task.clear_ibuf [dreg:s8], $0x6FFFF;
	_ =	strace $0x90000046  }
0xb4: {  	s29 =	simm.s32 $0x9;
	_ =	strace $0x80000048  }
0xb5: {  	_ =	swait.ge [sflag:s29], $0x1  }
0xb6: {  	[sflag:s29] =	ssyncadd.s32 $0xFFFFFFFF  }
0xb7: {  	_ =	strace $0x90000048  }
0xb8: {  	_ =	sfence  }
0xb9: {  	s30 =	sld [smem:$0x0];
	_ =	sdelay $0x2  }
0xba: {  	s31 =	sshll.u32 s1, $0xD;
	s1 =	sshrl.u32 s1, $0x2  }
0xbb: {  	s3 =	sand.u32 $0x4000, s31;
	s1 =	sadd.s32 s1, s30  }
0xbc: {  	s0 =	sor.u32 s3, s0;
	s1 =	sshll.u32 s1, $0x11  }
0xbd: {  	s0 =	sor.u32 s1, s0  }
0xbe: {  	s0 =	sadd.s32 $0x8F2B, s0  }
0xbf: {  	[sflag:s0] =	ssyncadd.remote.s32 $0x1  }
0xc0: {  	_ =	sfence.sel $0xFFFF  }
0xc1: {  	[dreg:$0x0] =	wrdreg $0xFFFFFFFF;
	(pc) =	sbr.abs _section_cstart, $3  }
0xc2: {  	[dreg:$0x1] =	wrdreg $0xFFFFFFFF  }
0xc3: {  	_ =	task.clear_ibuf [dreg:s8], $0x2FFFF;
	_ =	strace $0x9FFFFFFF  }
0xc4: {  	(tm) =	ssettm $0x7FFFFFFF  }
0xc5: {  	_ =	shalt  }
tec
execute0_lowered:
.L_overlay_start_1:
0x0: {  	(tag) =	ssettag $0x1  }
0x1: {  	s1 =	srdreg.scid;
	s3 =	rddreg [dreg:$0x1]  }
0x2: {  	s0 =	stileid.u32;
	s10 =	rddreg [dreg:$0x2]  }
0x3: {  	s12 =	simm.s32 $0x4000;
	s13 =	simm.s32 $0xC000;
	s14 =	simm.s32 $0x1  }
0x4: {  	s15 =	simm.s32 $0x3;
	s16 =	simm.s32 $0x2;
	s17 =	simm.s32 $0x4  }
0x5: {  	s18 =	simm.s32 $0x10000;
	s19 =	simm.s32 $0x5;
	s20 =	simm.s32 $0x0  }
0x6: {  	s6 =	sand.u32 $0x1, s1;
	s2 =	sshll.u32 s0, $0x1;
	s1 =	rddreg [dreg:$0x0]  }
0x7: {  	s4 =	sshll.u32 s0, $0x14;
	s9 =	sor.u32 s6, s2;
	s6 =	ssub.s32 $0x2, s6  }
0x8: {  	s2 =	sshll.u32 s9, $0x11;
	s8 =	sshrl.u32 s6, $0x1;
	s9 =	sshll.u32 s9, $0x5  }
0x9: {  	s5 =	sand.u32 $0x60000, s2;
	s2 =	rddreg [dreg:$0x3];
	s11 =	ssub.s32 s6, s8  }
0xa: {  	s9 =	sadd.s32 s10, s9;
	s4 =	sor.u32 s4, s5;
	s5 =	simm.s32 $0x0  }
0xb: {  	s10 =	smax.u32 s11, $0x1;
	s11 =	simm.s32 $0x8000;
	s7 =	sshrl.u32 s4, $0x3  }
0xc: {  	[smem:$0x7FF] =	sst s5;
	s8 =	sor.u32 $0x188000, s4;
	s7 =	sor.u32 $0x30000, s7  }
0xd: {  	_ =	strace $0x80000047;
	s6 =	sadd.s32 s1, s7;
	s7 =	sadd.s32 s3, s7  }
.LBB2_1:
0xe: {  	[tilespmem:s5], [sflag:$0x1] =	stream.linear.gather [hbm4b:s6+s5], $0x4000, $0x38;
	v1 =	vimm.f32 $0.0e+00;
	v3 =	vimm.f32 $0.0e+00;
	[tilespmem:$0x10100] =	vst v63  }
0xf: {  	v9 =	vimm.f32 $0.0e+00;
	v10 =	vimm.f32 $0.0e+00;
	v0 =	vimm.f32 $0.0e+00;
	s21 =	simm.s32 $0x0  }
0x10: {  	v4 =	vimm.f32 $0.0e+00;
	v5 =	vimm.f32 $0.0e+00;
	v11 =	vimm.f32 $0.0e+00;
	[tilespmem:s11], [sflag:$0x3] =	stream.linear.gather [hbm4b:s7+s5], $0x4000, $0x38;
	[tilespmem:$0x10100] =	vst v63  }
.LBB2_2:
0x11: {  	s22 =	sshll.u32 s21, $0xF  }
0x12: {  	s23 =	sor.u32 s22, s4  }
0x13: {  	s23 =	sshrl.u32 s23, $0x3  }
0x14: {  	s23 =	sor.u32 $0x30800, s23  }
0x15: {  	s24 =	sadd.s32 s1, s23  }
0x16: {  	[tilespmem:s12], [sflag:$0x2] =	stream.linear.gather [hbm4b:s24+s5], $0x4000, $0x38;
	[tilespmem:$0x10100] =	vst v63  }
0x17: {  	s23 =	sadd.s32 s3, s23  }
0x18: {  	[tilespmem:s13], [sflag:$0x4] =	stream.linear.gather [hbm4b:s23+s5], $0x4000, $0x38;
	[tilespmem:$0x10100] =	vst v63  }
0x19: {  	_ =	swait.ge [sflag:s14], $0x4000  }
0x1a: {  	[sflag:s14] =	ssyncset.done $0x0  }
0x1b: {  	[sflag:s14] =	ssyncadd.s32 $0xFFFFC000  }
0x1c: {  	_ =	swait.ge [sflag:s15], $0x4000  }
0x1d: {  	[sflag:s15] =	ssyncset.done $0x0  }
0x1e: {  	s31 =	simm.s32 $0x80;
	[sflag:s15] =	ssyncadd.s32 $0xFFFFC000  }
0x1f: {  	v2 =	vld [tilespmem:s31+$0xFFFFFF80];
	_ =	sdelay $0x2  }
0x20: {  	v6 =	vld [tilespmem:s31+$0x50]  }
0x21: {  	v7 =	vld [tilespmem:s31+$0x10]  }
0x22: {  	v8 =	vld [tilespmem:s31+$0x40];
	v2 =	vsub.f32 $0.0e+00, v2  }
0x23: {  	v12 =	vld [tilespmem:s31+$0x20]  }
0x24: {  	v2 =	vmul.f32 $1.442695020e+00, v2  }
0x25: {  	v13 =	vld [tilespmem:s31+$0xFFFFFFC0];
	v6 =	vsub.f32 $0.0e+00, v6  }
0x26: {  	v14 =	vld [tilespmem:s31+$0xFFFFFFD0];
	v7 =	vsub.f32 $0.0e+00, v7;
	(erf) = vpow2.f32 v2  }
0x27: {  	v8 =	vsub.f32 $0.0e+00, v8;
	v6 =	vmul.f32 $1.442695020e+00, v6;
	v2 =	vld [tilespmem:s31+$0x0]  }
0x28: {  	v12 =	vsub.f32 $0.0e+00, v12;
	v7 =	vmul.f32 $1.442695020e+00, v7  }
0x29: {  	v15 =	vld [tilespmem:s31+$0xFFFFFF90];
	v8 =	vmul.f32 $1.442695020e+00, v8;
	(erf) = vpow2.f32 v6  }
0x2a: {  	(erf) = vpow2.f32 v7;
	v7 =	vmul.f32 $1.442695020e+00, v12;
	v12 =	vld [tilespmem:s31+$0xFFFFFFA0]  }
0x2b: {  	v14 =	vsub.f32 $0.0e+00, v14;
	v6 =	vsub.f32 $0.0e+00, v13;
	(erf) = vpow2.f32 v8;
	v8 =	vld [tilespmem:s31+$0xFFFFFFF0]  }
0x2c: {  	v13 =	vld [tilespmem:s31+$0xFFFFFFB0];
	v2 =	vsub.f32 $0.0e+00, v2  }
0x2d: {  	v14 =	vmul.f32 $1.442695020e+00, v14;
	v6 =	vmul.f32 $1.442695020e+00, v6  }
0x2e: {  	(erf) = vpow2.f32 v7;
	v7 =	vld [tilespmem:s31+$0x30];
	v2 =	vmul.f32 $1.442695020e+00, v2  }
0x2f: {  	v16 =	vld [tilespmem:s31+$0xFFFFFFE0];
	(erf) = vpow2.f32 v6;
	v6 =	vsub.f32 $0.0e+00, v15;
	v12 =	vsub.f32 $0.0e+00, v12;
	v15 =	vpop (erf)  }
0x30: {  	v8 =	vsub.f32 $0.0e+00, v8;
	(erf) = vpow2.f32 v2;
	v15 =	vadd.f32 $1.000000000e+00, v15  }
0x31: {  	v2 =	vmul.f32 $1.442695020e+00, v6;
	v6 =	vsub.f32 $0.0e+00, v13;
	(erf) = vpow2.f32 v14  }
0x32: {  	v12 =	vmul.f32 $1.442695020e+00, v12;
	(erf) = vrcp.f32 v15  }
0x33: {  	v13 =	vld [tilespmem:s31+$0x60];
	v7 =	vsub.f32 $0.0e+00, v7;
	v14 =	vpop (erf);
	v6 =	vmul.f32 $1.442695020e+00, v6;
	(erf) = vpow2.f32 v2  }
0x34: {  	v2 =	vmul.f32 $1.442695020e+00, v8;
	v8 =	vpop (erf);
	(erf) = vpow2.f32 v12;
	v12 =	vsub.f32 $0.0e+00, v16;
	_ =	sdelay $0x1  }
0x35: {  	v7 =	vmul.f32 $1.442695020e+00, v7;
	v15 =	vpop (erf);
	(erf) = vpow2.f32 v6;
	v6 =	vadd.f32 $1.000000000e+00, v8  }
0x36: {  	v16 =	vpop (erf);
	(erf) = vpow2.f32 v2  }
0x37: {  	v2 =	vsub.f32 $0.0e+00, v13;
	v8 =	vmul.f32 $1.442695020e+00, v12;
	v12 =	vpop (erf);
	(erf) = vpow2.f32 v7  }
0x38: {  	v7 =	vadd.f32 $1.000000000e+00, v12;
	v12 =	vld [tilespmem:s31+$0x70];
	(erf) = vrcp.f32 v6  }
0x39: {  	s23 =	simm.s32 $0x8080;
	v2 =	vmul.f32 $1.442695020e+00, v2;
	v6 =	vpop (erf);
	(erf) = vpow2.f32 v8  }
0x3a: {  	v13 =	vpop (erf);
	v6 =	vadd.f32 $1.000000000e+00, v6;
	(erf) = vrcp.f32 v7;
	v7 =	vld [tilespmem:s23+$0xFFFFFF80]  }
0x3b: {  	v8 =	vpop (erf);
	(erf) = vpow2.f32 v2;
	v2 =	vadd.f32 $1.000000000e+00, v15  }
0x3c: {  	v17 =	vpop (erf);
	(erf) = vrcp.f32 v6;
	v6 =	vadd.f32 $1.000000000e+00, v14  }
0x3d: {  	v14 =	vpop (erf);
	v12 =	vsub.f32 $0.0e+00, v12;
	(erf) = vrcp.f32 v2  }
0x3e: {  	v15 =	vmul.f32 v8, v8;
	v18 =	vpop (erf);
	(erf) = vrcp.f32 v6  }
0x3f: {  	v14 =	vadd.f32 $1.000000000e+00, v14;
	v12 =	vmul.f32 $1.442695020e+00, v12;
	v2 =	vpop (erf);
	v6 =	vmul.f32 v8, v7  }
0x40: {  	v7 =	vadd.f32 v15, v7;
	v20 =	vadd.f32 $1.000000000e+00, v2  }
0x41: {  	v19 =	vld [tilespmem:s23+$0xFFFFFFC0];
	(erf) = vrcp.f32 v14;
	v8 =	vpop (erf);
	v6 =	vadd.f32 v6, v11;
	v11 =	vadd.f32 $1.000000000e+00, v17  }
0x42: {  	v22 =	vld [tilespmem:s23+$0x40];
	v14 =	vadd.f32 $1.000000000e+00, v8;
	v15 =	vpop (erf);
	(erf) = vpow2.f32 v12  }
0x43: {  	v28 =	vld [tilespmem:s23+$0xFFFFFFA0];
	(erf) = vrcp.f32 v20;
	v12 =	vpop (erf)  }
0x44: {  	v29 =	vld [tilespmem:s23+$0x50];
	v17 =	vadd.f32 $1.000000000e+00, v18;
	v5 =	vadd.f32 v7, v5;
	(erf) = vrcp.f32 v14;
	v7 =	vpop (erf)  }
0x45: {  	v27 =	vld [tilespmem:s23+$0xFFFFFFB0];
	v16 =	vadd.f32 $1.000000000e+00, v16;
	v26 =	vadd.f32 $1.000000000e+00, v13;
	(erf) = vrcp.f32 v11;
	v11 =	vpop (erf)  }
0x46: {  	v18 =	vld [tilespmem:s23+$0x10];
	v13 =	vmul.f32 v7, v7;
	(erf) = vrcp.f32 v17;
	v11 =	vadd.f32 $1.000000000e+00, v11;
	v24 =	vpop (erf)  }
0x47: {  	v20 =	vld [tilespmem:s23+$0x0];
	v12 =	vadd.f32 $1.000000000e+00, v12;
	v7 =	vmul.f32 v7, v19;
	v17 =	vmul.f32 v24, v24  }
0x48: {  	v2 =	vld [tilespmem:s23+$0xFFFFFFD0];
	v13 =	vadd.f32 v13, v19;
	v19 =	vmul.f32 v15, v15;
	v21 =	vpop (erf);
	(erf) = vrcp.f32 v11  }
0x49: {  	v8 =	vld [tilespmem:s23+$0x60];
	v25 =	vadd.f32 v7, v6;
	v23 =	vmul.f32 v21, v21;
	v30 =	vpop (erf);
	(erf) = vrcp.f32 v12  }
0x4a: {  	v14 =	vld [tilespmem:s23+$0xFFFFFFF0];
	v21 =	vmul.f32 v21, v22;
	v11 =	vadd.f32 v13, v5;
	v6 =	vpop (erf);
	(erf) = vrcp.f32 v26  }
0x4b: {  	v5 =	vadd.f32 v19, v18;
	v31 =	vmul.f32 v30, v30;
	v7 =	vmul.f32 v6, v6;
	v26 =	vld [tilespmem:s23+$0x30];
	v35 =	vpop (erf)  }
0x4c: {  	v13 =	vld [tilespmem:s23+$0xFFFFFFE0];
	v12 =	vadd.f32 v17, v20;
	v33 =	vmul.f32 v6, v28;
	v17 =	vpop (erf);
	(erf) = vrcp.f32 v16  }
0x4d: {  	v19 =	vld [tilespmem:s23+$0x20];
	v6 =	vadd.f32 v31, v29;
	v32 =	vadd.f32 v7, v28;
	v7 =	vmul.f32 v30, v29;
	v30 =	vpop (erf)  }
0x4e: {  	s25 =	simm.s32 $0x0;
	s26 =	simm.s32 $0x180;
	s24 =	simm.s32 $0x8080;
	v16 =	vld [tilespmem:s23+$0xFFFFFF90];
	v31 =	vadd.f32 $1.000000000e+00, v35;
	v28 =	vmul.f32 v17, v17;
	v34 =	vmul.f32 v30, v30;
	v29 =	vpop (erf)  }
.LBB2_3:
0x4f: {  	v35 =	vld [tilespmem:s26+$0xFFFFFF80];
	s25 =	sadd.s32 $0x4, s25;
	v36 =	vmul.f32 v29, v29;
	v10 =	vadd.f32 v33, v10;
	v23 =	vadd.f32 v23, v22;
	s23 =	sadd.s32 $0x100, s23;
	v22 =	vpop (erf)  }
0x50: {  	v42 =	vmul.f32 v24, v20;
	v33 =	vld [tilespmem:s26+$0x50];
	p0 =	slt.u32 s25, $0xFC;
	v37 =	vmul.f32 v22, v22;
	v34 =	vadd.f32 v34, v26  }
0x51: {  	v24 =	vadd.f32 v32, v9;
	v28 =	vadd.f32 v28, v14;
	v39 =	vld [tilespmem:s26+$0x40];
	v32 =	vmul.f32 v22, v27;
	v22 =	vpop (erf)  }
0x52: {  	v20 =	vmul.f32 v30, v26;
	v40 =	vld [tilespmem:s26+$0x10];
	v27 =	vadd.f32 v37, v27;
	v26 =	vmul.f32 v22, v22;
	v30 =	vpop (erf)  }
0x53: {  	v9 =	vmul.f32 v15, v18;
	v25 =	vadd.f32 v42, v25;
	v37 =	vld [tilespmem:s26+$0x0];
	v41 =	vmul.f32 v30, v30;
	v38 =	vpop (erf)  }
0x54: {  	v18 =	vmul.f32 v22, v8;
	v15 =	vsub.f32 $0.0e+00, v35;
	v35 =	vld [tilespmem:s26+$0x20];
	v42 =	vmul.f32 v38, v2  }
0x55: {  	v29 =	vmul.f32 v29, v16;
	v22 =	vadd.f32 v26, v8;
	v43 =	vld [tilespmem:s26+$0x30];
	v33 =	vsub.f32 $0.0e+00, v33;
	v8 =	vpop (erf)  }
0x56: {  	v1 =	vadd.f32 v27, v1;
	v15 =	vmul.f32 $1.442695020e+00, v15;
	v26 =	vld [tilespmem:s26+$0xFFFFFFC0];
	v27 =	vmul.f32 v8, v19  }
0x57: {  	v45 =	vmul.f32 v8, v8;
	v44 =	vld [tilespmem:s26+$0xFFFFFFD0];
	v40 =	vsub.f32 $0.0e+00, v40;
	v33 =	vmul.f32 $1.442695020e+00, v33  }
0x58: {  	v8 =	vsub.f32 $0.0e+00, v39;
	v46 =	vld [tilespmem:s26+$0xFFFFFF90];
	(erf) = vpow2.f32 v15;
	v15 =	vadd.f32 v21, v25  }
0x59: {  	v39 =	vadd.f32 v41, v13;
	v21 =	vld [tilespmem:s26+$0xFFFFFFF0];
	v25 =	vmul.f32 $1.442695020e+00, v40;
	(erf) = vrcp.f32 v31  }
0x5a: {  	v4 =	vadd.f32 v29, v4;
	v41 =	vmul.f32 $1.442695020e+00, v8;
	v31 =	vld [tilespmem:s26+$0xFFFFFFB0];
	v40 =	vsub.f32 $0.0e+00, v43  }
0x5b: {  	v14 =	vmul.f32 v17, v14;
	v35 =	vsub.f32 $0.0e+00, v35;
	v29 =	vld [tilespmem:s23+$0xFFFFFFD0];
	(erf) = vpow2.f32 v33  }
0x5c: {  	v13 =	vmul.f32 v30, v13;
	v17 =	vsub.f32 $0.0e+00, v26;
	v8 =	vld [tilespmem:s23+$0x60];
	(erf) = vpow2.f32 v25  }
0x5d: {  	v3 =	vadd.f32 v32, v3;
	v26 =	vmul.f32 $1.442695020e+00, v35;
	v25 =	vsub.f32 $0.0e+00, v46  }
0x5e: {  	v30 =	vsub.f32 $0.0e+00, v37;
	v19 =	vadd.f32 v45, v19;
	v17 =	vmul.f32 $1.442695020e+00, v17  }
0x5f: {  	v1 =	vadd.f32 v28, v1;
	v21 =	vsub.f32 $0.0e+00, v21;
	v25 =	vmul.f32 $1.442695020e+00, v25;
	v32 =	vld [tilespmem:s26+$0xFFFFFFA0]  }
0x60: {  	v30 =	vmul.f32 $1.442695020e+00, v30;
	v28 =	vsub.f32 $0.0e+00, v31;
	(erf) = vpow2.f32 v41  }
0x61: {  	v31 =	vsub.f32 $0.0e+00, v44;
	v21 =	vmul.f32 $1.442695020e+00, v21;
	v33 =	vpop (erf);
	(erf) = vpow2.f32 v26;
	v26 =	vld [tilespmem:s24+$0x70];
	s24 =	smov.u32 s23  }
0x62: {  	v4 =	vadd.f32 v42, v4;
	v37 =	vmul.f32 v38, v38;
	v33 =	vadd.f32 $1.000000000e+00, v33;
	v35 =	vld [tilespmem:s26+$0x60];
	v38 =	vpop (erf)  }
0x63: {  	v16 =	vadd.f32 v36, v16;
	v28 =	vmul.f32 $1.442695020e+00, v28;
	v41 =	vld [tilespmem:s26+$0xFFFFFFE0];
	v36 =	vmul.f32 v38, v38  }
0x64: {  	v31 =	vmul.f32 $1.442695020e+00, v31;
	v32 =	vsub.f32 $0.0e+00, v32;
	(erf) = vpow2.f32 v17;
	v17 =	vpop (erf)  }
0x65: {  	v1 =	vadd.f32 v34, v1;
	v17 =	vadd.f32 $1.000000000e+00, v17;
	(erf) = vpow2.f32 v30;
	v30 =	vpop (erf)  }
0x66: {  	v32 =	vmul.f32 $1.442695020e+00, v32;
	v30 =	vadd.f32 $1.000000000e+00, v30;
	v34 =	vadd.f32 v36, v26  }
0x67: {  	v11 =	vadd.f32 v12, v11;
	v35 =	vsub.f32 $0.0e+00, v35;
	(erf) = vpow2.f32 v31  }
0x68: {  	v0 =	vadd.f32 v16, v0;
	v12 =	vsub.f32 $0.0e+00, v41;
	(erf) = vrcp.f32 v33  }
0x69: {  	v11 =	vadd.f32 v23, v11;
	v16 =	vmul.f32 $1.442695020e+00, v40;
	(erf) = vpow2.f32 v25;
	v25 =	vpop (erf)  }
0x6a: {  	v10 =	vadd.f32 v13, v10;
	v12 =	vmul.f32 $1.442695020e+00, v12;
	(erf) = vpow2.f32 v32;
	v23 =	vpop (erf)  }
0x6b: {  	v24 =	vadd.f32 v39, v24;
	v31 =	vadd.f32 v37, v2;
	v2 =	vmovc v29;
	v13 =	vmul.f32 $1.442695020e+00, v35  }
0x6c: {  	v3 =	vadd.f32 v14, v3;
	v10 =	vadd.f32 v27, v10;
	(erf) = vpow2.f32 v28  }
0x6d: {  	v1 =	vadd.f32 v34, v1;
	v14 =	vpop (erf);
	(erf) = vpow2.f32 v21;
	v21 =	vmul.f32 v38, v26  }
0x6e: {  	v0 =	vadd.f32 v31, v0;
	v14 =	vadd.f32 $1.000000000e+00, v14;
	v26 =	vld [tilespmem:s26+$0x70];
	v27 =	vpop (erf);
	(erf) = vpow2.f32 v16  }
0x6f: {  	v19 =	vadd.f32 v19, v24;
	v16 =	vadd.f32 $1.000000000e+00, v25;
	(erf) = vrcp.f32 v30  }
0x70: {  	v4 =	vadd.f32 v9, v4;
	v10 =	vadd.f32 v18, v10;
	v24 =	vld [tilespmem:s23+$0xFFFFFF80];
	v25 =	vpop (erf);
	(erf) = vpow2.f32 v12  }
0x71: {  	v9 =	vadd.f32 v22, v19;
	v12 =	vadd.f32 $1.000000000e+00, v27;
	v18 =	vpop (erf);
	(erf) = vrcp.f32 v14  }
0x72: {  	v3 =	vadd.f32 v20, v3;
	v4 =	vadd.f32 v7, v4;
	v14 =	vpop (erf);
	(erf) = vpow2.f32 v13  }
0x73: {  	v0 =	vadd.f32 v5, v0;
	v19 =	vsub.f32 $0.0e+00, v26;
	v13 =	vpop (erf);
	(erf) = vrcp.f32 v12  }
0x74: {  	v3 =	vadd.f32 v21, v3;
	v5 =	vmul.f32 v18, v18;
	v20 =	vadd.f32 $1.000000000e+00, v13  }
0x75: {  	v0 =	vadd.f32 v6, v0;
	v13 =	vmul.f32 v18, v24;
	v18 =	vpop (erf);
	(erf) = vrcp.f32 v16  }
0x76: {  	v5 =	vadd.f32 v5, v24;
	v6 =	vmul.f32 $1.442695020e+00, v19;
	v7 =	vpop (erf);
	(erf) = vrcp.f32 v17  }
0x77: {  	v16 =	vadd.f32 v13, v15;
	v13 =	vld [tilespmem:s23+$0xFFFFFFC0];
	v7 =	vadd.f32 $1.000000000e+00, v7;
	(erf) = vrcp.f32 v20;
	v12 =	vpop (erf)  }
0x78: {  	v17 =	vadd.f32 $1.000000000e+00, v18;
	v12 =	vadd.f32 $1.000000000e+00, v12;
	v15 =	vpop (erf);
	(erf) = vpow2.f32 v6  }
0x79: {  	v18 =	vadd.f32 $1.000000000e+00, v14;
	v5 =	vadd.f32 v5, v11;
	v11 =	vpop (erf);
	(erf) = vrcp.f32 v7  }
0x7a: {  	v7 =	vadd.f32 $1.000000000e+00, v25;
	v14 =	vadd.f32 $1.000000000e+00, v11;
	v20 =	vld [tilespmem:s23+$0x0];
	v11 =	vpop (erf);
	(erf) = vrcp.f32 v12  }
0x7b: {  	v12 =	vmul.f32 v11, v11;
	v22 =	vld [tilespmem:s23+$0x40];
	(erf) = vrcp.f32 v18;
	v6 =	vpop (erf)  }
0x7c: {  	v19 =	vmul.f32 v11, v13;
	v18 =	vld [tilespmem:s23+$0x10];
	v25 =	vadd.f32 $1.000000000e+00, v6;
	(erf) = vrcp.f32 v17;
	v24 =	vpop (erf)  }
0x7d: {  	v28 =	vld [tilespmem:s23+$0xFFFFFFA0];
	v11 =	vadd.f32 v12, v13;
	v12 =	vmul.f32 v24, v24  }
0x7e: {  	v29 =	vadd.f32 $1.000000000e+00, v23;
	v17 =	vmul.f32 v15, v15;
	v31 =	vld [tilespmem:s23+$0x50];
	v21 =	vpop (erf);
	(erf) = vrcp.f32 v25  }
0x7f: {  	v11 =	vadd.f32 v11, v5;
	v13 =	vld [tilespmem:s23+$0xFFFFFFE0];
	v23 =	vmul.f32 v21, v21;
	(erf) = vrcp.f32 v14;
	v6 =	vpop (erf)  }
.Ltmp0:
0x80: {  	v25 =	vadd.f32 v19, v16;
	v14 =	vld [tilespmem:s23+$0xFFFFFFF0];
	v21 =	vmul.f32 v21, v22;
	v16 =	vpop (erf);
	(erf) = vrcp.f32 v7;
	(pc) =	sbr.rel @p0 .LBB2_3-.Ltmp0, $4  }
0x81: {  	v35 =	vmul.f32 v6, v6;
	v7 =	vmul.f32 v16, v16;
	v5 =	vadd.f32 v17, v18;
	v26 =	vld [tilespmem:s23+$0x30];
	v36 =	vpop (erf)  }
0x82: {  	v12 =	vadd.f32 v12, v20;
	v33 =	vmul.f32 v16, v28;
	v27 =	vld [tilespmem:s23+$0xFFFFFFB0];
	v17 =	vpop (erf);
	(erf) = vrcp.f32 v29  }
0x83: {  	v32 =	vadd.f32 v7, v28;
	v28 =	vmul.f32 v17, v17;
	v19 =	vld [tilespmem:s23+$0x20];
	v7 =	vmul.f32 v6, v31;
	v30 =	vpop (erf)  }
0x84: {  	s26 =	sadd.s32 $0x100, s26;
	v6 =	vadd.f32 v35, v31;
	v31 =	vadd.f32 $1.000000000e+00, v36;
	v16 =	vld [tilespmem:s23+$0xFFFFFF90];
	v34 =	vmul.f32 v30, v30;
	v29 =	vpop (erf)  }
0x85: {  	_ = 	snop  }
0x86: {  	(erf) = vrcp.f32 v31;
	_ =	sdelay $0x2  }
0x87: {  	p0 =	seq.s32 s21, $0x3  }
0x88: {  	v31 =	vpop (erf);
	s22 =	sadd.s32 @!p0 s22, s8  }
0x89: {  	v35 =	vpop (erf);
	s22 =	sshrl.u32 @!p0 s22, $0x3  }
0x8a: {  	v37 =	vld [tilespmem:s24+$0x70];
	s24 =	simm.s32 @!p0 $0x0;
	v36 =	vpop (erf);
	s23 =	sadd.s32 @!p0 s1, s22  }
0x8b: {  	v38 =	vpop (erf);
	[tilespmem:s24], [sflag:$0x1] =	stream.linear.gather @!p0 [hbm4b:s23+s24], $0x4000, $0x38;
	[tilespmem:$0x10100] =	vst v63  }
0x8c: {  	s22 =	sadd.s32 @!p0 s3, s22;
	s23 =	simm.s32 @!p0 $0x8000;
	v39 =	vpop (erf)  }
0x8d: {  	[tilespmem:s23], [sflag:$0x3] =	stream.linear.gather @!p0 [hbm4b:s22+s24], $0x4000, $0x38;
	v40 =	vpop (erf);
	[tilespmem:$0x10100] =	vst v63  }
0x8e: {  	v10 =	vadd.f32 v33, v10;
	_ =	swait.ge [sflag:s16], $0x4000  }
0x8f: {  	v22 =	vadd.f32 v23, v22;
	v20 =	vmul.f32 v24, v20;
	v15 =	vmul.f32 v15, v18;
	[sflag:s16] =	ssyncset.done $0x0  }
0x90: {  	v9 =	vadd.f32 v32, v9;
	v18 =	vmul.f32 v29, v29;
	v41 =	vmul.f32 v31, v31;
	[sflag:s16] =	ssyncadd.s32 $0xFFFFC000  }
0x91: {  	v28 =	vadd.f32 v28, v14;
	v11 =	vadd.f32 v12, v11;
	v23 =	vmul.f32 v31, v27;
	_ =	swait.ge [sflag:s17], $0x4000  }
0x92: {  	v20 =	vadd.f32 v20, v25;
	v25 =	vmul.f32 v35, v8;
	v24 =	vadd.f32 v41, v27;
	[sflag:s17] =	ssyncset.done $0x0  }
0x93: {  	s31 =	simm.s32 $0x4080;
	v27 =	vadd.f32 v34, v26;
	v26 =	vmul.f32 v30, v26;
	v30 =	vmul.f32 v35, v35;
	[sflag:s17] =	ssyncadd.s32 $0xFFFFC000  }
0x94: {  	v29 =	vmul.f32 v29, v16;
	v3 =	vadd.f32 v23, v3;
	v16 =	vadd.f32 v18, v16;
	v31 =	vld [tilespmem:s31+$0xFFFFFF80]  }
0x95: {  	v30 =	vadd.f32 v30, v8;
	v8 =	vadd.f32 v21, v20;
	v20 =	vmul.f32 v39, v39  }
0x96: {  	v14 =	vmul.f32 v17, v14;
	v1 =	vadd.f32 v24, v1;
	v4 =	vadd.f32 v29, v4  }
0x97: {  	v21 =	vmul.f32 v38, v2;
	v23 =	vmul.f32 v39, v19;
	v19 =	vadd.f32 v20, v19;
	v20 =	vld [tilespmem:s31+$0x50]  }
0x98: {  	v24 =	vmul.f32 v36, v36;
	v0 =	vadd.f32 v16, v0;
	v1 =	vadd.f32 v28, v1;
	v28 =	vld [tilespmem:s31+$0x10]  }
0x99: {  	v4 =	vadd.f32 v21, v4;
	v21 =	vmul.f32 v40, v40;
	v12 =	vld [tilespmem:s31+$0x40];
	v29 =	vsub.f32 $0.0e+00, v31  }
0x9a: {  	v16 =	vadd.f32 v22, v11;
	v24 =	vadd.f32 v24, v13;
	v13 =	vmul.f32 v36, v13;
	v11 =	vld [tilespmem:s31+$0xFFFFFFC0]  }
0x9b: {  	v1 =	vadd.f32 v27, v1;
	v18 =	vadd.f32 v21, v37;
	v21 =	vld [tilespmem:s31+$0x20];
	v27 =	vmul.f32 $1.442695020e+00, v29  }
0x9c: {  	v14 =	vadd.f32 v14, v3;
	v10 =	vadd.f32 v13, v10;
	v17 =	vld [tilespmem:s31+$0x0]  }
0x9d: {  	v9 =	vadd.f32 v24, v9;
	v13 =	vsub.f32 $0.0e+00, v20;
	(erf) = vpow2.f32 v27  }
0x9e: {  	v22 =	vld [tilespmem:s31+$0xFFFFFFD0];
	v20 =	vsub.f32 $0.0e+00, v28;
	v12 =	vsub.f32 $0.0e+00, v12  }
0x9f: {  	v11 =	vsub.f32 $0.0e+00, v11;
	v29 =	vmul.f32 v38, v38;
	v13 =	vmul.f32 $1.442695020e+00, v13  }
0xa0: {  	v3 =	vmul.f32 $1.442695020e+00, v20;
	v20 =	vsub.f32 $0.0e+00, v21;
	v21 =	vld [tilespmem:s31+$0xFFFFFF90];
	v12 =	vmul.f32 $1.442695020e+00, v12  }
0xa1: {  	v17 =	vsub.f32 $0.0e+00, v17;
	v11 =	vmul.f32 $1.442695020e+00, v11;
	(erf) = vpow2.f32 v13;
	v13 =	vld [tilespmem:s31+$0xFFFFFFA0]  }
0xa2: {  	v2 =	vadd.f32 v29, v2;
	(erf) = vpow2.f32 v3;
	v3 =	vmul.f32 $1.442695020e+00, v20;
	v20 =	vld [tilespmem:s31+$0xFFFFFFB0]  }
0xa3: {  	v10 =	vadd.f32 v23, v10;
	v23 =	vld [tilespmem:s31+$0xFFFFFFF0];
	v22 =	vsub.f32 $0.0e+00, v22  }
0xa4: {  	v17 =	vmul.f32 $1.442695020e+00, v17;
	v0 =	vadd.f32 v2, v0;
	(erf) = vpow2.f32 v12  }
0xa5: {  	v2 =	vsub.f32 $0.0e+00, v21;
	(erf) = vpow2.f32 v3;
	v3 =	vadd.f32 v18, v1;
	v1 =	vld [tilespmem:s31+$0x30]  }
0xa6: {  	v18 =	vmul.f32 $1.442695020e+00, v22;
	(erf) = vpow2.f32 v11;
	v13 =	vsub.f32 $0.0e+00, v13;
	v11 =	vpop (erf)  }
0xa7: {  	v21 =	vld [tilespmem:s31+$0xFFFFFFE0];
	(erf) = vpow2.f32 v17;
	v17 =	vsub.f32 $0.0e+00, v20;
	v11 =	vadd.f32 $1.000000000e+00, v11  }
0xa8: {  	v2 =	vmul.f32 $1.442695020e+00, v2;
	(erf) = vpow2.f32 v18;
	v18 =	vsub.f32 $0.0e+00, v23;
	v20 =	vld [tilespmem:s31+$0x60]  }
0xa9: {  	v4 =	vadd.f32 v15, v4;
	v13 =	vmul.f32 $1.442695020e+00, v13;
	(erf) = vrcp.f32 v11  }
0xaa: {  	v1 =	vsub.f32 $0.0e+00, v1;
	v11 =	vmul.f32 $1.442695020e+00, v17;
	(erf) = vpow2.f32 v2  }
0xab: {  	v17 =	vpop (erf);
	v2 =	vadd.f32 v19, v9;
	v9 =	vmul.f32 $1.442695020e+00, v18;
	(erf) = vpow2.f32 v13  }
0xac: {  	v1 =	vmul.f32 $1.442695020e+00, v1;
	v18 =	vpop (erf);
	v13 =	vsub.f32 $0.0e+00, v21;
	(erf) = vpow2.f32 v11  }
0xad: {  	v19 =	vpop (erf);
	v15 =	vadd.f32 $1.000000000e+00, v18;
	(erf) = vpow2.f32 v9;
	v9 =	vsub.f32 $0.0e+00, v20  }
0xae: {  	v21 =	vpop (erf);
	v13 =	vmul.f32 $1.442695020e+00, v13;
	(erf) = vpow2.f32 v1  }
0xaf: {  	v18 =	vpop (erf);
	(erf) = vrcp.f32 v15  }
0xb0: {  	v1 =	vadd.f32 $1.000000000e+00, v18;
	v18 =	vld [tilespmem:s31+$0x70];
	(erf) = vpow2.f32 v13;
	v13 =	vadd.f32 v26, v14  }
0xb1: {  	v11 =	vadd.f32 v25, v10;
	v10 =	vadd.f32 v30, v2;
	v2 =	vmul.f32 $1.442695020e+00, v9;
	v9 =	vpop (erf)  }
0xb2: {  	s22 =	simm.s32 $0xC080;
	v7 =	vadd.f32 v7, v4;
	v12 =	vmul.f32 v40, v37;
	v14 =	vpop (erf)  }
0xb3: {  	v0 =	vadd.f32 v5, v0;
	(erf) = vrcp.f32 v1;
	v1 =	vld [tilespmem:s22+$0xFFFFFF80];
	v9 =	vadd.f32 $1.000000000e+00, v9;
	v4 =	vpop (erf)  }
0xb4: {  	v5 =	vadd.f32 v12, v13;
	(erf) = vpow2.f32 v2;
	v2 =	vadd.f32 $1.000000000e+00, v19;
	v13 =	vpop (erf)  }
0xb5: {  	v12 =	vsub.f32 $0.0e+00, v18;
	(erf) = vrcp.f32 v9;
	v9 =	vadd.f32 $1.000000000e+00, v17;
	v15 =	vpop (erf)  }
0xb6: {  	v17 =	vmul.f32 v4, v4;
	v15 =	vadd.f32 $1.000000000e+00, v15;
	v18 =	vpop (erf);
	(erf) = vrcp.f32 v2  }
0xb7: {  	v2 =	vadd.f32 v6, v0;
	v6 =	vmul.f32 $1.442695020e+00, v12;
	(erf) = vrcp.f32 v9  }
0xb8: {  	v4 =	vmul.f32 v4, v1;
	v0 =	vpop (erf);
	(erf) = vrcp.f32 v15;
	v15 =	vadd.f32 v17, v1  }
0xb9: {  	v19 =	vadd.f32 $1.000000000e+00, v0;
	v12 =	vpop (erf);
	(erf) = vpow2.f32 v6;
	v6 =	vadd.f32 $1.000000000e+00, v13  }
0xba: {  	v29 =	vld [tilespmem:s22+$0x50];
	v17 =	vadd.f32 $1.000000000e+00, v12;
	v12 =	vpop (erf)  }
0xbb: {  	v9 =	vld [tilespmem:s22+$0xFFFFFFC0];
	v4 =	vadd.f32 v4, v8;
	v8 =	vpop (erf);
	(erf) = vrcp.f32 v19  }
0xbc: {  	v23 =	vld [tilespmem:s22+$0x40];
	v16 =	vadd.f32 v15, v16;
	(erf) = vrcp.f32 v17;
	v15 =	vpop (erf)  }
0xbd: {  	v30 =	vld [tilespmem:s22+$0xFFFFFFB0];
	v13 =	vadd.f32 $1.000000000e+00, v18;
	(erf) = vrcp.f32 v6;
	v6 =	vpop (erf)  }
0xbe: {  	v26 =	vld [tilespmem:s22+$0xFFFFFFA0];
	v17 =	vadd.f32 $1.000000000e+00, v14;
	v6 =	vadd.f32 $1.000000000e+00, v6  }
0xbf: {  	v18 =	vld [tilespmem:s22+$0x0];
	v8 =	vadd.f32 $1.000000000e+00, v8;
	v14 =	vmul.f32 v15, v15;
	(erf) = vrcp.f32 v13  }
0xc0: {  	v28 =	vadd.f32 $1.000000000e+00, v21;
	v20 =	vmul.f32 v12, v12;
	v19 =	vmul.f32 v15, v9;
	v15 =	vld [tilespmem:s22+$0x10];
	v24 =	vpop (erf)  }
0xc1: {  	v0 =	vld [tilespmem:s22+$0xFFFFFFD0];
	v9 =	vadd.f32 v14, v9;
	v13 =	vmul.f32 v24, v24;
	v21 =	vpop (erf);
	(erf) = vrcp.f32 v6  }
0xc2: {  	v1 =	vld [tilespmem:s22+$0x60];
	v25 =	vadd.f32 v19, v4;
	v27 =	vmul.f32 v21, v21;
	(erf) = vrcp.f32 v8;
	v6 =	vpop (erf)  }
0xc3: {  	v14 =	vld [tilespmem:s22+$0xFFFFFFE0];
	v22 =	vmul.f32 v21, v23;
	v9 =	vadd.f32 v9, v16;
	(erf) = vrcp.f32 v17;
	v8 =	vpop (erf)  }
0xc4: {  	v21 =	vld [tilespmem:s22+$0x30];
	v13 =	vadd.f32 v13, v18;
	v62 =	vmul.f32 v6, v6;
	v17 =	vmul.f32 v8, v8;
	v63 =	vpop (erf)  }
0xc5: {  	v16 =	vld [tilespmem:s22+$0xFFFFFFF0];
	v4 =	vadd.f32 v20, v15;
	(erf) = vrcp.f32 v28;
	v33 =	vmul.f32 v8, v26;
	v20 =	vpop (erf)  }
0xc6: {  	v19 =	vld [tilespmem:s22+$0x20];
	v8 =	vmul.f32 v6, v29;
	v6 =	vadd.f32 v62, v29;
	v32 =	vadd.f32 v17, v26;
	v26 =	vpop (erf)  }
0xc7: {  	s25 =	simm.s32 $0x4180;
	s24 =	simm.s32 $0x0;
	s23 =	simm.s32 $0xC080;
	v29 =	vadd.f32 $1.000000000e+00, v63;
	v31 =	vmul.f32 v20, v20;
	v17 =	vld [tilespmem:s22+$0xFFFFFF90];
	v34 =	vmul.f32 v26, v26;
	v28 =	vpop (erf)  }
.LBB2_5:
0xc8: {  	v35 =	vld [tilespmem:s25+$0xFFFFFF80];
	s24 =	sadd.s32 $0x4, s24;
	v36 =	vmul.f32 v28, v28;
	v11 =	vadd.f32 v33, v11;
	v23 =	vadd.f32 v27, v23;
	s22 =	sadd.s32 $0x100, s22;
	v27 =	vpop (erf)  }
0xc9: {  	v42 =	vmul.f32 v24, v18;
	v33 =	vld [tilespmem:s25+$0x50];
	p0 =	slt.u32 s24, $0xFC;
	v37 =	vmul.f32 v27, v27;
	v34 =	vadd.f32 v34, v21  }
0xca: {  	v24 =	vadd.f32 v32, v10;
	v31 =	vadd.f32 v31, v16;
	v39 =	vld [tilespmem:s25+$0x40];
	v27 =	vmul.f32 v27, v30;
	v32 =	vpop (erf)  }
0xcb: {  	v18 =	vmul.f32 v26, v21;
	v40 =	vld [tilespmem:s25+$0x10];
	v30 =	vadd.f32 v37, v30;
	v21 =	vmul.f32 v32, v32;
	v26 =	vpop (erf)  }
0xcc: {  	v10 =	vmul.f32 v12, v15;
	v25 =	vadd.f32 v42, v25;
	v37 =	vld [tilespmem:s25+$0x0];
	v41 =	vmul.f32 v26, v26;
	v38 =	vpop (erf)  }
0xcd: {  	v15 =	vmul.f32 v32, v1;
	v12 =	vsub.f32 $0.0e+00, v35;
	v35 =	vld [tilespmem:s25+$0x20];
	v42 =	vmul.f32 v38, v0  }
0xce: {  	v28 =	vmul.f32 v28, v17;
	v21 =	vadd.f32 v21, v1;
	v32 =	vld [tilespmem:s25+$0x30];
	v33 =	vsub.f32 $0.0e+00, v33;
	v1 =	vpop (erf)  }
0xcf: {  	v3 =	vadd.f32 v30, v3;
	v12 =	vmul.f32 $1.442695020e+00, v12;
	v43 =	vld [tilespmem:s25+$0xFFFFFFC0];
	v30 =	vmul.f32 v1, v19  }
0xd0: {  	v45 =	vmul.f32 v1, v1;
	v44 =	vld [tilespmem:s25+$0xFFFFFFD0];
	v40 =	vsub.f32 $0.0e+00, v40;
	v33 =	vmul.f32 $1.442695020e+00, v33  }
0xd1: {  	v1 =	vsub.f32 $0.0e+00, v39;
	v46 =	vld [tilespmem:s25+$0xFFFFFF90];
	(erf) = vpow2.f32 v12;
	v12 =	vadd.f32 v22, v25  }
0xd2: {  	v39 =	vadd.f32 v41, v14;
	v22 =	vld [tilespmem:s25+$0xFFFFFFF0];
	v25 =	vmul.f32 $1.442695020e+00, v40;
	(erf) = vrcp.f32 v29  }
0xd3: {  	v7 =	vadd.f32 v28, v7;
	v40 =	vmul.f32 $1.442695020e+00, v1;
	v29 =	vld [tilespmem:s25+$0xFFFFFFB0];
	v32 =	vsub.f32 $0.0e+00, v32  }
0xd4: {  	v16 =	vmul.f32 v20, v16;
	v35 =	vsub.f32 $0.0e+00, v35;
	v28 =	vld [tilespmem:s22+$0xFFFFFFD0];
	(erf) = vpow2.f32 v33  }
0xd5: {  	v14 =	vmul.f32 v26, v14;
	v20 =	vsub.f32 $0.0e+00, v43;
	v1 =	vld [tilespmem:s22+$0x60];
	(erf) = vpow2.f32 v25  }
0xd6: {  	v5 =	vadd.f32 v27, v5;
	v26 =	vmul.f32 $1.442695020e+00, v35;
	v25 =	vsub.f32 $0.0e+00, v46  }
0xd7: {  	v27 =	vsub.f32 $0.0e+00, v37;
	v19 =	vadd.f32 v45, v19;
	v20 =	vmul.f32 $1.442695020e+00, v20  }
0xd8: {  	v3 =	vadd.f32 v31, v3;
	v22 =	vsub.f32 $0.0e+00, v22;
	v25 =	vmul.f32 $1.442695020e+00, v25;
	v33 =	vld [tilespmem:s25+$0xFFFFFFA0]  }
0xd9: {  	v27 =	vmul.f32 $1.442695020e+00, v27;
	v29 =	vsub.f32 $0.0e+00, v29;
	(erf) = vpow2.f32 v40  }
0xda: {  	v31 =	vsub.f32 $0.0e+00, v44;
	v22 =	vmul.f32 $1.442695020e+00, v22;
	v35 =	vpop (erf);
	(erf) = vpow2.f32 v26;
	v26 =	vld [tilespmem:s23+$0x70];
	s23 =	smov.u32 s22  }
0xdb: {  	v38 =	vmul.f32 v38, v38;
	v7 =	vadd.f32 v42, v7;
	v35 =	vadd.f32 $1.000000000e+00, v35;
	v37 =	vld [tilespmem:s25+$0x60];
	v40 =	vpop (erf)  }
0xdc: {  	v17 =	vadd.f32 v36, v17;
	v29 =	vmul.f32 $1.442695020e+00, v29;
	v41 =	vld [tilespmem:s25+$0xFFFFFFE0];
	v36 =	vmul.f32 v40, v40  }
0xdd: {  	v31 =	vmul.f32 $1.442695020e+00, v31;
	v33 =	vsub.f32 $0.0e+00, v33;
	(erf) = vpow2.f32 v20;
	v20 =	vpop (erf)  }
0xde: {  	v3 =	vadd.f32 v34, v3;
	v20 =	vadd.f32 $1.000000000e+00, v20;
	(erf) = vpow2.f32 v27;
	v27 =	vpop (erf)  }
0xdf: {  	v33 =	vmul.f32 $1.442695020e+00, v33;
	v27 =	vadd.f32 $1.000000000e+00, v27;
	v34 =	vadd.f32 v36, v26  }
0xe0: {  	v9 =	vadd.f32 v13, v9;
	v36 =	vsub.f32 $0.0e+00, v37;
	(erf) = vpow2.f32 v31  }
0xe1: {  	v2 =	vadd.f32 v17, v2;
	v13 =	vsub.f32 $0.0e+00, v41;
	(erf) = vrcp.f32 v35  }
0xe2: {  	v9 =	vadd.f32 v23, v9;
	v17 =	vmul.f32 $1.442695020e+00, v32;
	(erf) = vpow2.f32 v25;
	v25 =	vpop (erf)  }
0xe3: {  	v11 =	vadd.f32 v14, v11;
	v13 =	vmul.f32 $1.442695020e+00, v13;
	(erf) = vpow2.f32 v33;
	v31 =	vpop (erf)  }
0xe4: {  	v23 =	vadd.f32 v38, v0;
	v24 =	vadd.f32 v39, v24;
	v0 =	vmovc v28;
	v14 =	vmul.f32 $1.442695020e+00, v36  }
0xe5: {  	v5 =	vadd.f32 v16, v5;
	v11 =	vadd.f32 v30, v11;
	(erf) = vpow2.f32 v29  }
0xe6: {  	v3 =	vadd.f32 v34, v3;
	v16 =	vpop (erf);
	(erf) = vpow2.f32 v22;
	v22 =	vmul.f32 v40, v26  }
0xe7: {  	v2 =	vadd.f32 v23, v2;
	v16 =	vadd.f32 $1.000000000e+00, v16;
	v26 =	vld [tilespmem:s25+$0x70];
	v28 =	vpop (erf);
	(erf) = vpow2.f32 v17  }
0xe8: {  	v19 =	vadd.f32 v19, v24;
	v17 =	vadd.f32 $1.000000000e+00, v25;
	(erf) = vrcp.f32 v27  }
0xe9: {  	v7 =	vadd.f32 v10, v7;
	v11 =	vadd.f32 v15, v11;
	v23 =	vld [tilespmem:s22+$0xFFFFFF80];
	v24 =	vpop (erf);
	(erf) = vpow2.f32 v13  }
0xea: {  	v10 =	vadd.f32 v21, v19;
	v13 =	vadd.f32 $1.000000000e+00, v28;
	v15 =	vpop (erf);
	(erf) = vrcp.f32 v16  }
0xeb: {  	v5 =	vadd.f32 v18, v5;
	v7 =	vadd.f32 v8, v7;
	v16 =	vpop (erf);
	(erf) = vpow2.f32 v14  }
0xec: {  	v2 =	vadd.f32 v4, v2;
	v18 =	vsub.f32 $0.0e+00, v26;
	v14 =	vpop (erf);
	(erf) = vrcp.f32 v13  }
0xed: {  	v5 =	vadd.f32 v22, v5;
	v4 =	vmul.f32 v15, v15;
	v13 =	vadd.f32 $1.000000000e+00, v14  }
0xee: {  	v2 =	vadd.f32 v6, v2;
	v14 =	vmul.f32 v15, v23;
	v15 =	vpop (erf);
	(erf) = vrcp.f32 v17  }
0xef: {  	v4 =	vadd.f32 v4, v23;
	v6 =	vmul.f32 $1.442695020e+00, v18;
	v8 =	vpop (erf);
	(erf) = vrcp.f32 v20  }
0xf0: {  	v17 =	vadd.f32 v14, v12;
	v14 =	vld [tilespmem:s22+$0xFFFFFFC0];
	v8 =	vadd.f32 $1.000000000e+00, v8;
	(erf) = vrcp.f32 v13;
	v12 =	vpop (erf)  }
0xf1: {  	v13 =	vadd.f32 $1.000000000e+00, v15;
	v15 =	vadd.f32 $1.000000000e+00, v12;
	v12 =	vpop (erf);
	(erf) = vpow2.f32 v6  }
0xf2: {  	v20 =	vadd.f32 $1.000000000e+00, v16;
	v4 =	vadd.f32 v4, v9;
	v9 =	vpop (erf);
	(erf) = vrcp.f32 v8  }
0xf3: {  	v8 =	vadd.f32 $1.000000000e+00, v24;
	v16 =	vadd.f32 $1.000000000e+00, v9;
	v18 =	vld [tilespmem:s22+$0x0];
	v9 =	vpop (erf);
	(erf) = vrcp.f32 v15  }
0xf4: {  	v19 =	vmul.f32 v9, v9;
	v23 =	vld [tilespmem:s22+$0x40];
	(erf) = vrcp.f32 v20;
	v6 =	vpop (erf)  }
0xf5: {  	v20 =	vmul.f32 v9, v14;
	v15 =	vld [tilespmem:s22+$0x10];
	v22 =	vadd.f32 $1.000000000e+00, v6;
	(erf) = vrcp.f32 v13;
	v24 =	vpop (erf)  }
0xf6: {  	v26 =	vld [tilespmem:s22+$0xFFFFFFA0];
	v9 =	vadd.f32 v19, v14;
	v13 =	vmul.f32 v24, v24  }
0xf7: {  	v28 =	vadd.f32 $1.000000000e+00, v31;
	v19 =	vmul.f32 v12, v12;
	v29 =	vld [tilespmem:s22+$0x50];
	v21 =	vpop (erf);
	(erf) = vrcp.f32 v22  }
0xf8: {  	v9 =	vadd.f32 v9, v4;
	v14 =	vld [tilespmem:s22+$0xFFFFFFE0];
	v27 =	vmul.f32 v21, v21;
	(erf) = vrcp.f32 v16;
	v6 =	vpop (erf)  }
.Ltmp1:
0xf9: {  	v25 =	vadd.f32 v20, v17;
	v16 =	vld [tilespmem:s22+$0xFFFFFFF0];
	v22 =	vmul.f32 v21, v23;
	v17 =	vpop (erf);
	(erf) = vrcp.f32 v8;
	(pc) =	sbr.rel @p0 .LBB2_5-.Ltmp1, $4  }
0xfa: {  	v35 =	vmul.f32 v6, v6;
	v8 =	vmul.f32 v17, v17;
	v4 =	vadd.f32 v19, v15;
	v21 =	vld [tilespmem:s22+$0x30];
	v36 =	vpop (erf)  }
0xfb: {  	v13 =	vadd.f32 v13, v18;
	v33 =	vmul.f32 v17, v26;
	v30 =	vld [tilespmem:s22+$0xFFFFFFB0];
	v20 =	vpop (erf);
	(erf) = vrcp.f32 v28  }
0xfc: {  	v32 =	vadd.f32 v8, v26;
	v31 =	vmul.f32 v20, v20;
	v19 =	vld [tilespmem:s22+$0x20];
	v8 =	vmul.f32 v6, v29;
	v26 =	vpop (erf)  }
0xfd: {  	s25 =	sadd.s32 $0x100, s25;
	v6 =	vadd.f32 v35, v29;
	v29 =	vadd.f32 $1.000000000e+00, v36;
	v17 =	vld [tilespmem:s22+$0xFFFFFF90];
	v34 =	vmul.f32 v26, v26;
	v28 =	vpop (erf)  }
0xfe: {  	v33 =	vadd.f32 v33, v11  }
0xff: {  	v23 =	vadd.f32 v27, v23;
	v18 =	vmul.f32 v24, v18;
	v10 =	vadd.f32 v32, v10  }
0x100: {  	v40 =	vpop (erf);
	v44 =	vadd.f32 v31, v16;
	v52 =	vmul.f32 v28, v28;
	(erf) = vrcp.f32 v29  }
0x101: {  	v9 =	vadd.f32 v13, v9;
	v60 =	vmul.f32 v20, v16;
	v11 =	vmul.f32 v40, v40  }
0x102: {  	v41 =	vadd.f32 v34, v21;
	v42 =	vmul.f32 v40, v30;
	v43 =	vpop (erf);
	v18 =	vadd.f32 v18, v25  }
0x103: {  	v11 =	vadd.f32 v11, v30;
	v45 =	vpop (erf);
	v47 =	vmul.f32 v43, v43;
	v46 =	vmul.f32 v28, v17  }
0x104: {  	v48 =	vmul.f32 v45, v45;
	v27 =	vadd.f32 v42, v5;
	v57 =	vadd.f32 v52, v17  }
0x105: {  	v35 =	vpop (erf);
	v56 =	vmul.f32 v45, v14;
	v3 =	vadd.f32 v11, v3;
	v11 =	vadd.f32 v22, v18  }
0x106: {  	v36 =	vmul.f32 v35, v0;
	v51 =	vadd.f32 v47, v1;
	v7 =	vadd.f32 v46, v7  }
0x107: {  	v50 =	vld [tilespmem:s23+$0x70];
	v58 =	vmul.f32 v35, v35;
	v49 =	vpop (erf);
	v53 =	vadd.f32 v48, v14;
	v2 =	vadd.f32 v57, v2  }
0x108: {  	v14 =	vadd.f32 v56, v33;
	v61 =	vadd.f32 v60, v27;
	v5 =	vmul.f32 v49, v49  }
0x109: {  	v3 =	vadd.f32 v44, v3;
	v0 =	vadd.f32 v58, v0;
	v54 =	vpop (erf)  }
0x10a: {  	v7 =	vadd.f32 v36, v7;
	v55 =	vadd.f32 v5, v19;
	v5 =	vmul.f32 v54, v54  }
0x10b: {  	v12 =	vmul.f32 v12, v15;
	v10 =	vadd.f32 v53, v10;
	v3 =	vadd.f32 v41, v3  }
0x10c: {  	s21 =	sadd.s32 $0x1, s21;
	v62 =	vmul.f32 v43, v1;
	v0 =	vadd.f32 v0, v2;
	v59 =	vadd.f32 v5, v50  }
0x10d: {  	p0 =	sne.s32 s21, $0x4;
	v7 =	vadd.f32 v12, v7;
	v5 =	vadd.f32 v23, v9;
	v9 =	vmul.f32 v49, v19  }
.Ltmp2:
0x10e: {  	v2 =	vadd.f32 v55, v10;
	v1 =	vadd.f32 v59, v3;
	v3 =	vmul.f32 v26, v21;
	(pc) =	sbr.rel @p0 .LBB2_2-.Ltmp2, $4  }
0x10f: {  	v0 =	vadd.f32 v4, v0;
	v9 =	vadd.f32 v9, v14  }
0x110: {  	v63 =	vmul.f32 v54, v50;
	v4 =	vadd.f32 v8, v7;
	v3 =	vadd.f32 v3, v61  }
0x111: {  	v0 =	vadd.f32 v6, v0;
	v10 =	vadd.f32 v62, v9  }
0x112: {  	v9 =	vadd.f32 v51, v2;
	v3 =	vadd.f32 v63, v3  }
0x113: {  	_ = 	snop  }
0x114: {  	v2 =	vadd.f32 v4, v11;
	v3 =	vadd.f32 v3, v10  }
0x115: {  	v0 =	vadd.f32 v0, v5;
	v1 =	vadd.f32 v1, v9  }
0x116: {  	v2 =	vadd.f32 v3, v2  }
0x117: {  	s20 =	sadd.s32 $0x1, s20;
	v0 =	vadd.f32 v1, v0  }
0x118: {  	p0 =	sne.s32 s20, s10;
	[tilespmem:$0x10000] =	vst v2  }
.Ltmp3:
0x119: {  	[tilespmem:$0x10080] =	vst v0;
	(pc) =	sbr.rel @p0 .LBB2_1-.Ltmp3, $4  }
0x11a: {  	[hbm4b:s9+s5] =	stream.linear.scatter [tilespmem:s18], [sflag:$0x5], $0x100, $0x38;
	[tilespmem:$0x10100] =	vst v63  }
0x11b: {  	_ =	swait.ge [sflag:s19], $0x100  }
0x11c: {  	[sflag:s19] =	ssyncset.done $0x0  }
0x11d: {  	[sflag:s19] =	ssyncadd.s32 $0xFFFFFF00  }
0x11e: {  	_ =	sfence.sel $0x180000  }
0x11f: {  	[bflag:$0x0] =	sbarrier.arrive $0xFFFF  }
0x120: {  	p0 =	sne.s32 s0, $0x0;
	_ =	strace $0x90000047  }
0x121: {  	s0 =	sadd.s32 @!p0 $0x100000, s2;
	[bflag:$0x2] =	sbarrier.arrive $0xFFFF  }
0x122: {  	[sflag:s0] =	ssyncadd.tile.s32 @!p0 $0x1;
	_ =	shalt  }
.Lfunc_end2:
_tile_overlayer_lowered:
.L_overlay_start_2:
0x123: {  	(tag) =	ssettag $0x2  }
0x124: {  	s0 =	rddreg [dreg:$0x0];
	s2 =	stileid.u32  }
0x125: {  	s1 =	rddreg [dreg:$0x1];
	p0 =	sne.s32 s2, $0x0  }
0x126: {  	s3 =	rddreg [dreg:$0x2];
	[bflag:$0x3] =	sbarrier.arrive $0xFFFF;
	s2 =	simm.s32 @!p0 $0x1C05  }
0x127: {  	[timem:s3], [sflag:s2] =	dma.local @!p0 [hbm:s0], s1  }
0x128: {  	s0 =	simm.s32 @!p0 $0x5  }
0x129: {  	_ =	swait.ge @!p0 [sflag:s0], s1  }
0x12a: {  	s1 =	ssub.s32 @!p0 $0x0, s1;
	[sflag:s0] =	ssyncset.done @!p0 $0x0  }
0x12b: {  	[sflag:s0] =	ssyncadd.s32 @!p0 s1  }
0x12c: {  	[bflag:$0x3] =	sbarrier.arrive $0xFFFF  }
0x12d: {  	_ =	shalt  }

</sc_bundles>
